<compile_context>
chip_gen: v7x
topology: tpu7x:2x2x1
jax: 0.10.2.dev20260603
libtpu: 0.0.44.dev20260713+nightly
codegen_flags: <defaults>
</compile_context>

<pallas_src>
import functools

import jax
import jax.numpy as jnp
from jax import lax
from jax.experimental import pallas as pl
from jax.experimental.pallas import tpu as pltpu
from jax.experimental.pallas import tpu_sc as plsc

BATCH = 4096
SEQ = 200
VOCAB = 100000

NC = 2
NS = 16
L = 16
NW = NC * NS
COLS_W = BATCH // NW
RCHUNK = 40
NCHUNK = SEQ // RCHUNK
VPR = COLS_W // L


@jax.jit
def _sc_gather(tokens_t, table):
    mesh = plsc.VectorSubcoreMesh(core_axis_name="c", subcore_axis_name="s")

    @functools.partial(
        pl.kernel,
        out_type=jax.ShapeDtypeStruct((SEQ, BATCH), jnp.float32),
        mesh=mesh,
        compiler_params=pltpu.CompilerParams(needs_layout_passes=False),
        scratch_types=[
            pltpu.VMEM((VOCAB,), jnp.float32),
            pltpu.VMEM_SHARED((VOCAB,), jnp.float32),
            pltpu.VMEM((RCHUNK, COLS_W), jnp.int32),
            pltpu.VMEM((RCHUNK, COLS_W), jnp.int32),
            pltpu.VMEM((RCHUNK, COLS_W), jnp.float32),
            pltpu.VMEM((RCHUNK, COLS_W), jnp.float32),
            pltpu.SemaphoreType.DMA,
            pltpu.SemaphoreType.DMA((2,)),
            pltpu.SemaphoreType.DMA((2,)),
        ],
    )
    def k(tokens_hbm, table_hbm, out_hbm, table_v, table_sp, tok0, tok1,
          out0, out1, tsem, tok_sems, out_sems):
        toks = [tok0, tok1]
        outs = [out0, out1]
        wid = lax.axis_index("s") * NC + lax.axis_index("c")
        col0 = wid * COLS_W

        def tok_window(c):
            return tokens_hbm.at[pl.ds(c * RCHUNK, RCHUNK),
                                 pl.ds(col0, COLS_W)]

        def out_window(c):
            return out_hbm.at[pl.ds(c * RCHUNK, RCHUNK), pl.ds(col0, COLS_W)]

        tok_dmas = [None] * NCHUNK
        out_dmas = [None] * NCHUNK
        tok_dmas[0] = pltpu.async_copy(tok_window(0), tok0, tok_sems.at[0])
        sid = lax.axis_index("s")

        @pl.when(sid == 0)
        def _():
            pltpu.sync_copy(table_hbm, table_sp)

        if NCHUNK > 1:
            tok_dmas[1] = pltpu.async_copy(tok_window(1), tok1, tok_sems.at[1])
        plsc.subcore_barrier()
        pltpu.sync_copy(table_sp, table_v)

        for c in range(NCHUNK):
            b = c & 1
            tok_dmas[c].wait()
            if c >= 2:
                out_dmas[c - 2].wait()

            @plsc.parallel_loop(0, RCHUNK, unroll=2)
            def row_loop(r, tok_v=toks[b], out_v=outs[b]):
                for v in range(VPR):
                    idx = tok_v[r, pl.ds(v * L, L)]
                    out_v[r, pl.ds(v * L, L)] = plsc.load_gather(
                        table_v, [idx])

            out_dmas[c] = pltpu.async_copy(outs[b], out_window(c),
                                           out_sems.at[b])
            if c + 2 < NCHUNK:
                tok_dmas[c + 2] = pltpu.async_copy(tok_window(c + 2), toks[b],
                                                   tok_sems.at[b])

        for c in range(max(0, NCHUNK - 2), NCHUNK):
            out_dmas[c].wait()

    return k(tokens_t, table)


def kernel(tokens, table):
    return _sc_gather(tokens.T, table).T

# --- scband reference (transcript-rebuilt; emitter-appended) ---
"""Pipeline reference for scband-my-model-87522843560600 (READ-ONLY COPY).

The authoritative reference and input builder live on the scoring server;
editing this copy changes nothing except your own understanding.
"""

import jax, jax.numpy as jnp
import numpy as np

BATCH = 4096
SEQ = 200
VOCAB = 100000


def setup_inputs(seed: int = 0) -> dict:
    key = jax.random.key(seed)
    k1, k2 = jax.random.split(key)
    # Pre-tokenized text: each entry is a token id in [0, VOCAB).
    tokens = jax.random.randint(k1, (BATCH, SEQ), 0, VOCAB, dtype=jnp.int32)
    # Lookup table standing in for the TextVectorization vocabulary hash table
    # (string -> id). We model the table payload as a dense row of values so the
    # core SparseCore-relevant op (gather by token id) is preserved.
    table = jax.random.normal(k2, (VOCAB,), dtype=jnp.float32)
    return {"tokens": tokens, "table": table}


def reference(tokens, table):
    # Faithful core of TextVectorization.call after standardize/split:
    # per-token vocabulary lookup == gather rows of the lookup table by id.
    return jnp.take(table, tokens, axis=0)

if __name__ == "__main__":
    import jax
    _d = setup_inputs()
    print(jax.jit(kernel)(*tuple(_d.values())))

</pallas_src>

<mosaic_0001>
#map = affine_map<(d0, d1) -> (0, 0)>
#map1 = affine_map<(d0, d1) -> (0)>
module attributes {stable_mosaic.version = 14 : i64} {
  func.func @k(%arg0: i32, %arg1: i32, %arg2: memref<200x4096xi32, #tpu.memory_space<hbm>>, %arg3: memref<100000xf32, #tpu.memory_space<hbm>>, %arg4: memref<200x4096xf32, #tpu.memory_space<hbm>>, %arg5: memref<100000xf32, #tpu.memory_space<vmem>>, %arg6: memref<100000xf32, #tpu.memory_space<vmem_shared>>, %arg7: memref<40x128xi32, #tpu.memory_space<vmem>>, %arg8: memref<40x128xi32, #tpu.memory_space<vmem>>, %arg9: memref<40x128xf32, #tpu.memory_space<vmem>>, %arg10: memref<40x128xf32, #tpu.memory_space<vmem>>, %arg11: memref<!tpu.dma_semaphore, #tpu.memory_space<semaphore_mem>>, %arg12: memref<2x!tpu.dma_semaphore, #tpu.memory_space<semaphore_mem>>, %arg13: memref<2x!tpu.dma_semaphore, #tpu.memory_space<semaphore_mem>>) attributes {dimension_semantics = [#tpu.dimension_semantics<core_parallel>, #tpu.dimension_semantics<subcore_parallel>], iteration_bounds = array<i64: 2, 16>, scalar_prefetch = 0 : i64, scratch_operands = 9 : i64, tpu.core_type = #tpu.core_type<sc_vector_subcore>, window_params = [{transform_indices = #map}, {transform_indices = #map1}, {transform_indices = #map}]} {
    %mul3A = arith.constant 2 : i32
    %mul3A_0 = arith.muli %arg1, %mul3A : i32
    %add3A = arith.addi %mul3A_0, %arg0 : i32
    %mul3A_1 = arith.constant 128 : i32
    %mul3A_2 = arith.muli %add3A, %mul3A_1 : i32
    %dma_start3A = arith.constant 0 : i32
    %dma_start3A_3 = arith.constant 0 : i32
    %dma_start3A_4 = tpu.memref_slice %arg2[%dma_start3A_3, %mul3A_2] : memref<200x4096xi32, #tpu.memory_space<hbm>> -> memref<40x128xi32, #tpu.memory_space<hbm>>
    %dma_start3A_5 = tpu.memref_slice %arg12[%dma_start3A] : memref<2x!tpu.dma_semaphore, #tpu.memory_space<semaphore_mem>> -> memref<1x!tpu.dma_semaphore, #tpu.memory_space<semaphore_mem>>
    %dma_start3A_6 = tpu.memref_squeeze %dma_start3A_5 : memref<1x!tpu.dma_semaphore, #tpu.memory_space<semaphore_mem>> -> memref<!tpu.dma_semaphore, #tpu.memory_space<semaphore_mem>>
    %dma_start3A_7 = arith.constant 0 : i32
    %dma_start3A_8 = tpu.memref_slice %arg2[%dma_start3A_7, %mul3A_2] : memref<200x4096xi32, #tpu.memory_space<hbm>> -> memref<40x128xi32, #tpu.memory_space<hbm>>
    tpu.enqueue_dma source(%dma_start3A_8 : memref<40x128xi32, #tpu.memory_space<hbm>>) target(%arg7 : memref<40x128xi32, #tpu.memory_space<vmem>>) target_semaphore(%dma_start3A_6 : memref<!tpu.dma_semaphore, #tpu.memory_space<semaphore_mem>>)
    %eq3A = arith.constant 0 : i32
    %eq3A_9 = arith.cmpi eq, %arg1, %eq3A : i32
    %convert_element_type3A = arith.extui %eq3A_9 : i1 to i32
    %cond3A = arith.constant 0 : i32
    %cond3A_10 = arith.cmpi ne, %convert_element_type3A, %cond3A : i32
    scf.if %cond3A_10 {
      "tpu.region"() ({
        %run_scoped3A = tpu.sem_alloc : memref<!tpu.dma_semaphore, #tpu.memory_space<semaphore_mem>>
        tpu.enqueue_dma source(%arg3 : memref<100000xf32, #tpu.memory_space<hbm>>) target(%arg6 : memref<100000xf32, #tpu.memory_space<vmem_shared>>) target_semaphore(%run_scoped3A : memref<!tpu.dma_semaphore, #tpu.memory_space<semaphore_mem>>)
        tpu.wait_dma2 semaphore(%run_scoped3A : memref<!tpu.dma_semaphore, #tpu.memory_space<semaphore_mem>>) src(%arg3 : memref<100000xf32, #tpu.memory_space<hbm>>) dst(%arg6 : memref<100000xf32, #tpu.memory_space<vmem_shared>>)
        tpu.yield
      }) : () -> ()
    } else {
    }
    %dma_start3A_11 = arith.constant 1 : i32
    %dma_start3A_12 = arith.constant 40 : i32
    %dma_start3A_13 = tpu.memref_slice %arg2[%dma_start3A_12, %mul3A_2] : memref<200x4096xi32, #tpu.memory_space<hbm>> -> memref<40x128xi32, #tpu.memory_space<hbm>>
    %dma_start3A_14 = tpu.memref_slice %arg12[%dma_start3A_11] : memref<2x!tpu.dma_semaphore, #tpu.memory_space<semaphore_mem>> -> memref<1x!tpu.dma_semaphore, #tpu.memory_space<semaphore_mem>>
    %dma_start3A_15 = tpu.memref_squeeze %dma_start3A_14 : memref<1x!tpu.dma_semaphore, #tpu.memory_space<semaphore_mem>> -> memref<!tpu.dma_semaphore, #tpu.memory_space<semaphore_mem>>
    %dma_start3A_16 = arith.constant 40 : i32
    %dma_start3A_17 = tpu.memref_slice %arg2[%dma_start3A_16, %mul3A_2] : memref<200x4096xi32, #tpu.memory_space<hbm>> -> memref<40x128xi32, #tpu.memory_space<hbm>>
    tpu.enqueue_dma source(%dma_start3A_17 : memref<40x128xi32, #tpu.memory_space<hbm>>) target(%arg8 : memref<40x128xi32, #tpu.memory_space<vmem>>) target_semaphore(%dma_start3A_15 : memref<!tpu.dma_semaphore, #tpu.memory_space<semaphore_mem>>)
    %barrier3A = arith.constant 0 : index
    tpu.barrier barrier_id(%barrier3A)
    "tpu.region"() ({
      %run_scoped3A = tpu.sem_alloc : memref<!tpu.dma_semaphore, #tpu.memory_space<semaphore_mem>>
      tpu.enqueue_dma source(%arg6 : memref<100000xf32, #tpu.memory_space<vmem_shared>>) target(%arg5 : memref<100000xf32, #tpu.memory_space<vmem>>) target_semaphore(%run_scoped3A : memref<!tpu.dma_semaphore, #tpu.memory_space<semaphore_mem>>)
      tpu.wait_dma2 semaphore(%run_scoped3A : memref<!tpu.dma_semaphore, #tpu.memory_space<semaphore_mem>>) src(%arg6 : memref<100000xf32, #tpu.memory_space<vmem_shared>>) dst(%arg5 : memref<100000xf32, #tpu.memory_space<vmem>>)
      tpu.yield
    }) : () -> ()
    %dma_wait3A = arith.constant 0 : i32
    %dma_wait3A_18 = arith.constant 0 : i32
    %dma_wait3A_19 = tpu.memref_slice %arg2[%dma_wait3A_18, %mul3A_2] : memref<200x4096xi32, #tpu.memory_space<hbm>> -> memref<40x128xi32, #tpu.memory_space<hbm>>
    %dma_wait3A_20 = tpu.memref_slice %arg12[%dma_wait3A] : memref<2x!tpu.dma_semaphore, #tpu.memory_space<semaphore_mem>> -> memref<1x!tpu.dma_semaphore, #tpu.memory_space<semaphore_mem>>
    %dma_wait3A_21 = tpu.memref_squeeze %dma_wait3A_20 : memref<1x!tpu.dma_semaphore, #tpu.memory_space<semaphore_mem>> -> memref<!tpu.dma_semaphore, #tpu.memory_space<semaphore_mem>>
    %dma_wait3A_22 = arith.constant 0 : i32
    %dma_wait3A_23 = tpu.memref_slice %arg2[%dma_wait3A_22, %mul3A_2] : memref<200x4096xi32, #tpu.memory_space<hbm>> -> memref<40x128xi32, #tpu.memory_space<hbm>>
    tpu.wait_dma2 semaphore(%dma_wait3A_21 : memref<!tpu.dma_semaphore, #tpu.memory_space<semaphore_mem>>) src(%dma_wait3A_23 : memref<40x128xi32, #tpu.memory_space<hbm>>) dst(%arg7 : memref<40x128xi32, #tpu.memory_space<vmem>>)
    %parallel_loop3A = arith.constant 0 : i32
    %parallel_loop3A_24 = arith.constant 40 : i32
    %parallel_loop3A_25 = arith.constant 1 : i32
    scf.for %parallel_loop3A_157 = %parallel_loop3A to %parallel_loop3A_24 step %parallel_loop3A_25  : i32 {
      %parallel_loop3A_158 = arith.index_cast %parallel_loop3A_157 : i32 to index
      %parallel_loop3A_159 = arith.constant 0 : index
      %parallel_loop3A_160 = tpu.vector_load %arg7[%parallel_loop3A_158, %parallel_loop3A_159] {strides = array<i32>} : memref<40x128xi32, #tpu.memory_space<vmem>>, vector<16xi32>,
      %parallel_loop3A_161 = tpu.vector_load_idx %arg5[%parallel_loop3A_160] : memref<100000xf32, #tpu.memory_space<vmem>>[vector<16xi32>], vector<16xf32>,
      %parallel_loop3A_162 = arith.index_cast %parallel_loop3A_157 : i32 to index
      %parallel_loop3A_163 = arith.constant 0 : index
      %parallel_loop3A_164 = tpu.vector_load %arg9[%parallel_loop3A_162, %parallel_loop3A_163] {strides = array<i32>} : memref<40x128xf32, #tpu.memory_space<vmem>>, vector<16xf32>,
      tpu.vector_store %arg9[%parallel_loop3A_162, %parallel_loop3A_163], %parallel_loop3A_161 {strides = array<i32>} : memref<40x128xf32, #tpu.memory_space<vmem>>, vector<16xf32>,
      %parallel_loop3A_165 = arith.index_cast %parallel_loop3A_157 : i32 to index
      %parallel_loop3A_166 = arith.constant 16 : index
      %parallel_loop3A_167 = tpu.vector_load %arg7[%parallel_loop3A_165, %parallel_loop3A_166] {strides = array<i32>} : memref<40x128xi32, #tpu.memory_space<vmem>>, vector<16xi32>,
      %parallel_loop3A_168 = tpu.vector_load_idx %arg5[%parallel_loop3A_167] : memref<100000xf32, #tpu.memory_space<vmem>>[vector<16xi32>], vector<16xf32>,
      %parallel_loop3A_169 = arith.index_cast %parallel_loop3A_157 : i32 to index
      %parallel_loop3A_170 = arith.constant 16 : index
      %parallel_loop3A_171 = tpu.vector_load %arg9[%parallel_loop3A_169, %parallel_loop3A_170] {strides = array<i32>} : memref<40x128xf32, #tpu.memory_space<vmem>>, vector<16xf32>,
      tpu.vector_store %arg9[%parallel_loop3A_169, %parallel_loop3A_170], %parallel_loop3A_168 {strides = array<i32>} : memref<40x128xf32, #tpu.memory_space<vmem>>, vector<16xf32>,
      %parallel_loop3A_172 = arith.index_cast %parallel_loop3A_157 : i32 to index
      %parallel_loop3A_173 = arith.constant 32 : index
      %parallel_loop3A_174 = tpu.vector_load %arg7[%parallel_loop3A_172, %parallel_loop3A_173] {strides = array<i32>} : memref<40x128xi32, #tpu.memory_space<vmem>>, vector<16xi32>,
      %parallel_loop3A_175 = tpu.vector_load_idx %arg5[%parallel_loop3A_174] : memref<100000xf32, #tpu.memory_space<vmem>>[vector<16xi32>], vector<16xf32>,
      %parallel_loop3A_176 = arith.index_cast %parallel_loop3A_157 : i32 to index
      %parallel_loop3A_177 = arith.constant 32 : index
      %parallel_loop3A_178 = tpu.vector_load %arg9[%parallel_loop3A_176, %parallel_loop3A_177] {strides = array<i32>} : memref<40x128xf32, #tpu.memory_space<vmem>>, vector<16xf32>,
      tpu.vector_store %arg9[%parallel_loop3A_176, %parallel_loop3A_177], %parallel_loop3A_175 {strides = array<i32>} : memref<40x128xf32, #tpu.memory_space<vmem>>, vector<16xf32>,
      %parallel_loop3A_179 = arith.index_cast %parallel_loop3A_157 : i32 to index
      %parallel_loop3A_180 = arith.constant 48 : index
      %parallel_loop3A_181 = tpu.vector_load %arg7[%parallel_loop3A_179, %parallel_loop3A_180] {strides = array<i32>} : memref<40x128xi32, #tpu.memory_space<vmem>>, vector<16xi32>,
      %parallel_loop3A_182 = tpu.vector_load_idx %arg5[%parallel_loop3A_181] : memref<100000xf32, #tpu.memory_space<vmem>>[vector<16xi32>], vector<16xf32>,
      %parallel_loop3A_183 = arith.index_cast %parallel_loop3A_157 : i32 to index
      %parallel_loop3A_184 = arith.constant 48 : index
      %parallel_loop3A_185 = tpu.vector_load %arg9[%parallel_loop3A_183, %parallel_loop3A_184] {strides = array<i32>} : memref<40x128xf32, #tpu.memory_space<vmem>>, vector<16xf32>,
      tpu.vector_store %arg9[%parallel_loop3A_183, %parallel_loop3A_184], %parallel_loop3A_182 {strides = array<i32>} : memref<40x128xf32, #tpu.memory_space<vmem>>, vector<16xf32>,
      %parallel_loop3A_186 = arith.index_cast %parallel_loop3A_157 : i32 to index
      %parallel_loop3A_187 = arith.constant 64 : index
      %parallel_loop3A_188 = tpu.vector_load %arg7[%parallel_loop3A_186, %parallel_loop3A_187] {strides = array<i32>} : memref<40x128xi32, #tpu.memory_space<vmem>>, vector<16xi32>,
      %parallel_loop3A_189 = tpu.vector_load_idx %arg5[%parallel_loop3A_188] : memref<100000xf32, #tpu.memory_space<vmem>>[vector<16xi32>], vector<16xf32>,
      %parallel_loop3A_190 = arith.index_cast %parallel_loop3A_157 : i32 to index
      %parallel_loop3A_191 = arith.constant 64 : index
      %parallel_loop3A_192 = tpu.vector_load %arg9[%parallel_loop3A_190, %parallel_loop3A_191] {strides = array<i32>} : memref<40x128xf32, #tpu.memory_space<vmem>>, vector<16xf32>,
      tpu.vector_store %arg9[%parallel_loop3A_190, %parallel_loop3A_191], %parallel_loop3A_189 {strides = array<i32>} : memref<40x128xf32, #tpu.memory_space<vmem>>, vector<16xf32>,
      %parallel_loop3A_193 = arith.index_cast %parallel_loop3A_157 : i32 to index
      %parallel_loop3A_194 = arith.constant 80 : index
      %parallel_loop3A_195 = tpu.vector_load %arg7[%parallel_loop3A_193, %parallel_loop3A_194] {strides = array<i32>} : memref<40x128xi32, #tpu.memory_space<vmem>>, vector<16xi32>,
      %parallel_loop3A_196 = tpu.vector_load_idx %arg5[%parallel_loop3A_195] : memref<100000xf32, #tpu.memory_space<vmem>>[vector<16xi32>], vector<16xf32>,
      %parallel_loop3A_197 = arith.index_cast %parallel_loop3A_157 : i32 to index
      %parallel_loop3A_198 = arith.constant 80 : index
      %parallel_loop3A_199 = tpu.vector_load %arg9[%parallel_loop3A_197, %parallel_loop3A_198] {strides = array<i32>} : memref<40x128xf32, #tpu.memory_space<vmem>>, vector<16xf32>,
      tpu.vector_store %arg9[%parallel_loop3A_197, %parallel_loop3A_198], %parallel_loop3A_196 {strides = array<i32>} : memref<40x128xf32, #tpu.memory_space<vmem>>, vector<16xf32>,
      %parallel_loop3A_200 = arith.index_cast %parallel_loop3A_157 : i32 to index
      %parallel_loop3A_201 = arith.constant 96 : index
      %parallel_loop3A_202 = tpu.vector_load %arg7[%parallel_loop3A_200, %parallel_loop3A_201] {strides = array<i32>} : memref<40x128xi32, #tpu.memory_space<vmem>>, vector<16xi32>,
      %parallel_loop3A_203 = tpu.vector_load_idx %arg5[%parallel_loop3A_202] : memref<100000xf32, #tpu.memory_space<vmem>>[vector<16xi32>], vector<16xf32>,
      %parallel_loop3A_204 = arith.index_cast %parallel_loop3A_157 : i32 to index
      %parallel_loop3A_205 = arith.constant 96 : index
      %parallel_loop3A_206 = tpu.vector_load %arg9[%parallel_loop3A_204, %parallel_loop3A_205] {strides = array<i32>} : memref<40x128xf32, #tpu.memory_space<vmem>>, vector<16xf32>,
      tpu.vector_store %arg9[%parallel_loop3A_204, %parallel_loop3A_205], %parallel_loop3A_203 {strides = array<i32>} : memref<40x128xf32, #tpu.memory_space<vmem>>, vector<16xf32>,
      %parallel_loop3A_207 = arith.index_cast %parallel_loop3A_157 : i32 to index
      %parallel_loop3A_208 = arith.constant 112 : index
      %parallel_loop3A_209 = tpu.vector_load %arg7[%parallel_loop3A_207, %parallel_loop3A_208] {strides = array<i32>} : memref<40x128xi32, #tpu.memory_space<vmem>>, vector<16xi32>,
      %parallel_loop3A_210 = tpu.vector_load_idx %arg5[%parallel_loop3A_209] : memref<100000xf32, #tpu.memory_space<vmem>>[vector<16xi32>], vector<16xf32>,
      %parallel_loop3A_211 = arith.index_cast %parallel_loop3A_157 : i32 to index
      %parallel_loop3A_212 = arith.constant 112 : index
      %parallel_loop3A_213 = tpu.vector_load %arg9[%parallel_loop3A_211, %parallel_loop3A_212] {strides = array<i32>} : memref<40x128xf32, #tpu.memory_space<vmem>>, vector<16xf32>,
      tpu.vector_store %arg9[%parallel_loop3A_211, %parallel_loop3A_212], %parallel_loop3A_210 {strides = array<i32>} : memref<40x128xf32, #tpu.memory_space<vmem>>, vector<16xf32>,
    } {sc.loop_unroll_factor = 2 : i64, sc.parallel_access}
    %dma_start3A_26 = arith.constant 0 : i32
    %dma_start3A_27 = arith.constant 0 : i32
    %dma_start3A_28 = tpu.memref_slice %arg4[%dma_start3A_27, %mul3A_2] : memref<200x4096xf32, #tpu.memory_space<hbm>> -> memref<40x128xf32, #tpu.memory_space<hbm>>
    %dma_start3A_29 = tpu.memref_slice %arg13[%dma_start3A_26] : memref<2x!tpu.dma_semaphore, #tpu.memory_space<semaphore_mem>> -> memref<1x!tpu.dma_semaphore, #tpu.memory_space<semaphore_mem>>
    %dma_start3A_30 = tpu.memref_squeeze %dma_start3A_29 : memref<1x!tpu.dma_semaphore, #tpu.memory_space<semaphore_mem>> -> memref<!tpu.dma_semaphore, #tpu.memory_space<semaphore_mem>>
    %dma_start3A_31 = arith.constant 0 : i32
    %dma_start3A_32 = tpu.memref_slice %arg4[%dma_start3A_31, %mul3A_2] : memref<200x4096xf32, #tpu.memory_space<hbm>> -> memref<40x128xf32, #tpu.memory_space<hbm>>
    tpu.enqueue_dma source(%arg9 : memref<40x128xf32, #tpu.memory_space<vmem>>) target(%dma_start3A_32 : memref<40x128xf32, #tpu.memory_space<hbm>>) target_semaphore(%dma_start3A_30 : memref<!tpu.dma_semaphore, #tpu.memory_space<semaphore_mem>>)
    %dma_start3A_33 = arith.constant 0 : i32
    %dma_start3A_34 = arith.constant 80 : i32
    %dma_start3A_35 = tpu.memref_slice %arg2[%dma_start3A_34, %mul3A_2] : memref<200x4096xi32, #tpu.memory_space<hbm>> -> memref<40x128xi32, #tpu.memory_space<hbm>>
    %dma_start3A_36 = tpu.memref_slice %arg12[%dma_start3A_33] : memref<2x!tpu.dma_semaphore, #tpu.memory_space<semaphore_mem>> -> memref<1x!tpu.dma_semaphore, #tpu.memory_space<semaphore_mem>>
    %dma_start3A_37 = tpu.memref_squeeze %dma_start3A_36 : memref<1x!tpu.dma_semaphore, #tpu.memory_space<semaphore_mem>> -> memref<!tpu.dma_semaphore, #tpu.memory_space<semaphore_mem>>
    %dma_start3A_38 = arith.constant 80 : i32
    %dma_start3A_39 = tpu.memref_slice %arg2[%dma_start3A_38, %mul3A_2] : memref<200x4096xi32, #tpu.memory_space<hbm>> -> memref<40x128xi32, #tpu.memory_space<hbm>>
    tpu.enqueue_dma source(%dma_start3A_39 : memref<40x128xi32, #tpu.memory_space<hbm>>) target(%arg7 : memref<40x128xi32, #tpu.memory_space<vmem>>) target_semaphore(%dma_start3A_37 : memref<!tpu.dma_semaphore, #tpu.memory_space<semaphore_mem>>)
    %dma_wait3A_40 = arith.constant 1 : i32
    %dma_wait3A_41 = arith.constant 40 : i32
    %dma_wait3A_42 = tpu.memref_slice %arg2[%dma_wait3A_41, %mul3A_2] : memref<200x4096xi32, #tpu.memory_space<hbm>> -> memref<40x128xi32, #tpu.memory_space<hbm>>
    %dma_wait3A_43 = tpu.memref_slice %arg12[%dma_wait3A_40] : memref<2x!tpu.dma_semaphore, #tpu.memory_space<semaphore_mem>> -> memref<1x!tpu.dma_semaphore, #tpu.memory_space<semaphore_mem>>
    %dma_wait3A_44 = tpu.memref_squeeze %dma_wait3A_43 : memref<1x!tpu.dma_semaphore, #tpu.memory_space<semaphore_mem>> -> memref<!tpu.dma_semaphore, #tpu.memory_space<semaphore_mem>>
    %dma_wait3A_45 = arith.constant 40 : i32
    %dma_wait3A_46 = tpu.memref_slice %arg2[%dma_wait3A_45, %mul3A_2] : memref<200x4096xi32, #tpu.memory_space<hbm>> -> memref<40x128xi32, #tpu.memory_space<hbm>>
    tpu.wait_dma2 semaphore(%dma_wait3A_44 : memref<!tpu.dma_semaphore, #tpu.memory_space<semaphore_mem>>) src(%dma_wait3A_46 : memref<40x128xi32, #tpu.memory_space<hbm>>) dst(%arg8 : memref<40x128xi32, #tpu.memory_space<vmem>>)
    %parallel_loop3A_47 = arith.constant 0 : i32
    %parallel_loop3A_48 = arith.constant 40 : i32
    %parallel_loop3A_49 = arith.constant 1 : i32
    scf.for %parallel_loop3A_157 = %parallel_loop3A_47 to %parallel_loop3A_48 step %parallel_loop3A_49  : i32 {
      %parallel_loop3A_158 = arith.index_cast %parallel_loop3A_157 : i32 to index
      %parallel_loop3A_159 = arith.constant 0 : index
      %parallel_loop3A_160 = tpu.vector_load %arg8[%parallel_loop3A_158, %parallel_loop3A_159] {strides = array<i32>} : memref<40x128xi32, #tpu.memory_space<vmem>>, vector<16xi32>,
      %parallel_loop3A_161 = tpu.vector_load_idx %arg5[%parallel_loop3A_160] : memref<100000xf32, #tpu.memory_space<vmem>>[vector<16xi32>], vector<16xf32>,
      %parallel_loop3A_162 = arith.index_cast %parallel_loop3A_157 : i32 to index
      %parallel_loop3A_163 = arith.constant 0 : index
      %parallel_loop3A_164 = tpu.vector_load %arg10[%parallel_loop3A_162, %parallel_loop3A_163] {strides = array<i32>} : memref<40x128xf32, #tpu.memory_space<vmem>>, vector<16xf32>,
      tpu.vector_store %arg10[%parallel_loop3A_162, %parallel_loop3A_163], %parallel_loop3A_161 {strides = array<i32>} : memref<40x128xf32, #tpu.memory_space<vmem>>, vector<16xf32>,
      %parallel_loop3A_165 = arith.index_cast %parallel_loop3A_157 : i32 to index
      %parallel_loop3A_166 = arith.constant 16 : index
      %parallel_loop3A_167 = tpu.vector_load %arg8[%parallel_loop3A_165, %parallel_loop3A_166] {strides = array<i32>} : memref<40x128xi32, #tpu.memory_space<vmem>>, vector<16xi32>,
      %parallel_loop3A_168 = tpu.vector_load_idx %arg5[%parallel_loop3A_167] : memref<100000xf32, #tpu.memory_space<vmem>>[vector<16xi32>], vector<16xf32>,
      %parallel_loop3A_169 = arith.index_cast %parallel_loop3A_157 : i32 to index
      %parallel_loop3A_170 = arith.constant 16 : index
      %parallel_loop3A_171 = tpu.vector_load %arg10[%parallel_loop3A_169, %parallel_loop3A_170] {strides = array<i32>} : memref<40x128xf32, #tpu.memory_space<vmem>>, vector<16xf32>,
      tpu.vector_store %arg10[%parallel_loop3A_169, %parallel_loop3A_170], %parallel_loop3A_168 {strides = array<i32>} : memref<40x128xf32, #tpu.memory_space<vmem>>, vector<16xf32>,
      %parallel_loop3A_172 = arith.index_cast %parallel_loop3A_157 : i32 to index
      %parallel_loop3A_173 = arith.constant 32 : index
      %parallel_loop3A_174 = tpu.vector_load %arg8[%parallel_loop3A_172, %parallel_loop3A_173] {strides = array<i32>} : memref<40x128xi32, #tpu.memory_space<vmem>>, vector<16xi32>,
      %parallel_loop3A_175 = tpu.vector_load_idx %arg5[%parallel_loop3A_174] : memref<100000xf32, #tpu.memory_space<vmem>>[vector<16xi32>], vector<16xf32>,
      %parallel_loop3A_176 = arith.index_cast %parallel_loop3A_157 : i32 to index
      %parallel_loop3A_177 = arith.constant 32 : index
      %parallel_loop3A_178 = tpu.vector_load %arg10[%parallel_loop3A_176, %parallel_loop3A_177] {strides = array<i32>} : memref<40x128xf32, #tpu.memory_space<vmem>>, vector<16xf32>,
      tpu.vector_store %arg10[%parallel_loop3A_176, %parallel_loop3A_177], %parallel_loop3A_175 {strides = array<i32>} : memref<40x128xf32, #tpu.memory_space<vmem>>, vector<16xf32>,
      %parallel_loop3A_179 = arith.index_cast %parallel_loop3A_157 : i32 to index
      %parallel_loop3A_180 = arith.constant 48 : index
      %parallel_loop3A_181 = tpu.vector_load %arg8[%parallel_loop3A_179, %parallel_loop3A_180] {strides = array<i32>} : memref<40x128xi32, #tpu.memory_space<vmem>>, vector<16xi32>,
      %parallel_loop3A_182 = tpu.vector_load_idx %arg5[%parallel_loop3A_181] : memref<100000xf32, #tpu.memory_space<vmem>>[vector<16xi32>], vector<16xf32>,
      %parallel_loop3A_183 = arith.index_cast %parallel_loop3A_157 : i32 to index
      %parallel_loop3A_184 = arith.constant 48 : index
      %parallel_loop3A_185 = tpu.vector_load %arg10[%parallel_loop3A_183, %parallel_loop3A_184] {strides = array<i32>} : memref<40x128xf32, #tpu.memory_space<vmem>>, vector<16xf32>,
      tpu.vector_store %arg10[%parallel_loop3A_183, %parallel_loop3A_184], %parallel_loop3A_182 {strides = array<i32>} : memref<40x128xf32, #tpu.memory_space<vmem>>, vector<16xf32>,
      %parallel_loop3A_186 = arith.index_cast %parallel_loop3A_157 : i32 to index
      %parallel_loop3A_187 = arith.constant 64 : index
      %parallel_loop3A_188 = tpu.vector_load %arg8[%parallel_loop3A_186, %parallel_loop3A_187] {strides = array<i32>} : memref<40x128xi32, #tpu.memory_space<vmem>>, vector<16xi32>,
      %parallel_loop3A_189 = tpu.vector_load_idx %arg5[%parallel_loop3A_188] : memref<100000xf32, #tpu.memory_space<vmem>>[vector<16xi32>], vector<16xf32>,
      %parallel_loop3A_190 = arith.index_cast %parallel_loop3A_157 : i32 to index
      %parallel_loop3A_191 = arith.constant 64 : index
      %parallel_loop3A_192 = tpu.vector_load %arg10[%parallel_loop3A_190, %parallel_loop3A_191] {strides = array<i32>} : memref<40x128xf32, #tpu.memory_space<vmem>>, vector<16xf32>,
      tpu.vector_store %arg10[%parallel_loop3A_190, %parallel_loop3A_191], %parallel_loop3A_189 {strides = array<i32>} : memref<40x128xf32, #tpu.memory_space<vmem>>, vector<16xf32>,
      %parallel_loop3A_193 = arith.index_cast %parallel_loop3A_157 : i32 to index
      %parallel_loop3A_194 = arith.constant 80 : index
      %parallel_loop3A_195 = tpu.vector_load %arg8[%parallel_loop3A_193, %parallel_loop3A_194] {strides = array<i32>} : memref<40x128xi32, #tpu.memory_space<vmem>>, vector<16xi32>,
      %parallel_loop3A_196 = tpu.vector_load_idx %arg5[%parallel_loop3A_195] : memref<100000xf32, #tpu.memory_space<vmem>>[vector<16xi32>], vector<16xf32>,
      %parallel_loop3A_197 = arith.index_cast %parallel_loop3A_157 : i32 to index
      %parallel_loop3A_198 = arith.constant 80 : index
      %parallel_loop3A_199 = tpu.vector_load %arg10[%parallel_loop3A_197, %parallel_loop3A_198] {strides = array<i32>} : memref<40x128xf32, #tpu.memory_space<vmem>>, vector<16xf32>,
      tpu.vector_store %arg10[%parallel_loop3A_197, %parallel_loop3A_198], %parallel_loop3A_196 {strides = array<i32>} : memref<40x128xf32, #tpu.memory_space<vmem>>, vector<16xf32>,
      %parallel_loop3A_200 = arith.index_cast %parallel_loop3A_157 : i32 to index
      %parallel_loop3A_201 = arith.constant 96 : index
      %parallel_loop3A_202 = tpu.vector_load %arg8[%parallel_loop3A_200, %parallel_loop3A_201] {strides = array<i32>} : memref<40x128xi32, #tpu.memory_space<vmem>>, vector<16xi32>,
      %parallel_loop3A_203 = tpu.vector_load_idx %arg5[%parallel_loop3A_202] : memref<100000xf32, #tpu.memory_space<vmem>>[vector<16xi32>], vector<16xf32>,
      %parallel_loop3A_204 = arith.index_cast %parallel_loop3A_157 : i32 to index
      %parallel_loop3A_205 = arith.constant 96 : index
      %parallel_loop3A_206 = tpu.vector_load %arg10[%parallel_loop3A_204, %parallel_loop3A_205] {strides = array<i32>} : memref<40x128xf32, #tpu.memory_space<vmem>>, vector<16xf32>,
      tpu.vector_store %arg10[%parallel_loop3A_204, %parallel_loop3A_205], %parallel_loop3A_203 {strides = array<i32>} : memref<40x128xf32, #tpu.memory_space<vmem>>, vector<16xf32>,
      %parallel_loop3A_207 = arith.index_cast %parallel_loop3A_157 : i32 to index
      %parallel_loop3A_208 = arith.constant 112 : index
      %parallel_loop3A_209 = tpu.vector_load %arg8[%parallel_loop3A_207, %parallel_loop3A_208] {strides = array<i32>} : memref<40x128xi32, #tpu.memory_space<vmem>>, vector<16xi32>,
      %parallel_loop3A_210 = tpu.vector_load_idx %arg5[%parallel_loop3A_209] : memref<100000xf32, #tpu.memory_space<vmem>>[vector<16xi32>], vector<16xf32>,
      %parallel_loop3A_211 = arith.index_cast %parallel_loop3A_157 : i32 to index
      %parallel_loop3A_212 = arith.constant 112 : index
      %parallel_loop3A_213 = tpu.vector_load %arg10[%parallel_loop3A_211, %parallel_loop3A_212] {strides = array<i32>} : memref<40x128xf32, #tpu.memory_space<vmem>>, vector<16xf32>,
      tpu.vector_store %arg10[%parallel_loop3A_211, %parallel_loop3A_212], %parallel_loop3A_210 {strides = array<i32>} : memref<40x128xf32, #tpu.memory_space<vmem>>, vector<16xf32>,
    } {sc.loop_unroll_factor = 2 : i64, sc.parallel_access}
    %dma_start3A_50 = arith.constant 1 : i32
    %dma_start3A_51 = arith.constant 40 : i32
    %dma_start3A_52 = tpu.memref_slice %arg4[%dma_start3A_51, %mul3A_2] : memref<200x4096xf32, #tpu.memory_space<hbm>> -> memref<40x128xf32, #tpu.memory_space<hbm>>
    %dma_start3A_53 = tpu.memref_slice %arg13[%dma_start3A_50] : memref<2x!tpu.dma_semaphore, #tpu.memory_space<semaphore_mem>> -> memref<1x!tpu.dma_semaphore, #tpu.memory_space<semaphore_mem>>
    %dma_start3A_54 = tpu.memref_squeeze %dma_start3A_53 : memref<1x!tpu.dma_semaphore, #tpu.memory_space<semaphore_mem>> -> memref<!tpu.dma_semaphore, #tpu.memory_space<semaphore_mem>>
    %dma_start3A_55 = arith.constant 40 : i32
    %dma_start3A_56 = tpu.memref_slice %arg4[%dma_start3A_55, %mul3A_2] : memref<200x4096xf32, #tpu.memory_space<hbm>> -> memref<40x128xf32, #tpu.memory_space<hbm>>
    tpu.enqueue_dma source(%arg10 : memref<40x128xf32, #tpu.memory_space<vmem>>) target(%dma_start3A_56 : memref<40x128xf32, #tpu.memory_space<hbm>>) target_semaphore(%dma_start3A_54 : memref<!tpu.dma_semaphore, #tpu.memory_space<semaphore_mem>>)
    %dma_start3A_57 = arith.constant 1 : i32
    %dma_start3A_58 = arith.constant 120 : i32
    %dma_start3A_59 = tpu.memref_slice %arg2[%dma_start3A_58, %mul3A_2] : memref<200x4096xi32, #tpu.memory_space<hbm>> -> memref<40x128xi32, #tpu.memory_space<hbm>>
    %dma_start3A_60 = tpu.memref_slice %arg12[%dma_start3A_57] : memref<2x!tpu.dma_semaphore, #tpu.memory_space<semaphore_mem>> -> memref<1x!tpu.dma_semaphore, #tpu.memory_space<semaphore_mem>>
    %dma_start3A_61 = tpu.memref_squeeze %dma_start3A_60 : memref<1x!tpu.dma_semaphore, #tpu.memory_space<semaphore_mem>> -> memref<!tpu.dma_semaphore, #tpu.memory_space<semaphore_mem>>
    %dma_start3A_62 = arith.constant 120 : i32
    %dma_start3A_63 = tpu.memref_slice %arg2[%dma_start3A_62, %mul3A_2] : memref<200x4096xi32, #tpu.memory_space<hbm>> -> memref<40x128xi32, #tpu.memory_space<hbm>>
    tpu.enqueue_dma source(%dma_start3A_63 : memref<40x128xi32, #tpu.memory_space<hbm>>) target(%arg8 : memref<40x128xi32, #tpu.memory_space<vmem>>) target_semaphore(%dma_start3A_61 : memref<!tpu.dma_semaphore, #tpu.memory_space<semaphore_mem>>)
    %dma_wait3A_64 = arith.constant 0 : i32
    %dma_wait3A_65 = arith.constant 80 : i32
    %dma_wait3A_66 = tpu.memref_slice %arg2[%dma_wait3A_65, %mul3A_2] : memref<200x4096xi32, #tpu.memory_space<hbm>> -> memref<40x128xi32, #tpu.memory_space<hbm>>
    %dma_wait3A_67 = tpu.memref_slice %arg12[%dma_wait3A_64] : memref<2x!tpu.dma_semaphore, #tpu.memory_space<semaphore_mem>> -> memref<1x!tpu.dma_semaphore, #tpu.memory_space<semaphore_mem>>
    %dma_wait3A_68 = tpu.memref_squeeze %dma_wait3A_67 : memref<1x!tpu.dma_semaphore, #tpu.memory_space<semaphore_mem>> -> memref<!tpu.dma_semaphore, #tpu.memory_space<semaphore_mem>>
    %dma_wait3A_69 = arith.constant 80 : i32
    %dma_wait3A_70 = tpu.memref_slice %arg2[%dma_wait3A_69, %mul3A_2] : memref<200x4096xi32, #tpu.memory_space<hbm>> -> memref<40x128xi32, #tpu.memory_space<hbm>>
    tpu.wait_dma2 semaphore(%dma_wait3A_68 : memref<!tpu.dma_semaphore, #tpu.memory_space<semaphore_mem>>) src(%dma_wait3A_70 : memref<40x128xi32, #tpu.memory_space<hbm>>) dst(%arg7 : memref<40x128xi32, #tpu.memory_space<vmem>>)
    %dma_wait3A_71 = arith.constant 0 : i32
    %dma_wait3A_72 = arith.constant 0 : i32
    %dma_wait3A_73 = tpu.memref_slice %arg4[%dma_wait3A_72, %mul3A_2] : memref<200x4096xf32, #tpu.memory_space<hbm>> -> memref<40x128xf32, #tpu.memory_space<hbm>>
    %dma_wait3A_74 = tpu.memref_slice %arg13[%dma_wait3A_71] : memref<2x!tpu.dma_semaphore, #tpu.memory_space<semaphore_mem>> -> memref<1x!tpu.dma_semaphore, #tpu.memory_space<semaphore_mem>>
    %dma_wait3A_75 = tpu.memref_squeeze %dma_wait3A_74 : memref<1x!tpu.dma_semaphore, #tpu.memory_space<semaphore_mem>> -> memref<!tpu.dma_semaphore, #tpu.memory_space<semaphore_mem>>
    %dma_wait3A_76 = arith.constant 0 : i32
    %dma_wait3A_77 = tpu.memref_slice %arg4[%dma_wait3A_76, %mul3A_2] : memref<200x4096xf32, #tpu.memory_space<hbm>> -> memref<40x128xf32, #tpu.memory_space<hbm>>
    tpu.wait_dma2 semaphore(%dma_wait3A_75 : memref<!tpu.dma_semaphore, #tpu.memory_space<semaphore_mem>>) src(%arg9 : memref<40x128xf32, #tpu.memory_space<vmem>>) dst(%dma_wait3A_77 : memref<40x128xf32, #tpu.memory_space<hbm>>)
    %parallel_loop3A_78 = arith.constant 0 : i32
    %parallel_loop3A_79 = arith.constant 40 : i32
    %parallel_loop3A_80 = arith.constant 1 : i32
    scf.for %parallel_loop3A_157 = %parallel_loop3A_78 to %parallel_loop3A_79 step %parallel_loop3A_80  : i32 {
      %parallel_loop3A_158 = arith.index_cast %parallel_loop3A_157 : i32 to index
      %parallel_loop3A_159 = arith.constant 0 : index
      %parallel_loop3A_160 = tpu.vector_load %arg7[%parallel_loop3A_158, %parallel_loop3A_159] {strides = array<i32>} : memref<40x128xi32, #tpu.memory_space<vmem>>, vector<16xi32>,
      %parallel_loop3A_161 = tpu.vector_load_idx %arg5[%parallel_loop3A_160] : memref<100000xf32, #tpu.memory_space<vmem>>[vector<16xi32>], vector<16xf32>,
      %parallel_loop3A_162 = arith.index_cast %parallel_loop3A_157 : i32 to index
      %parallel_loop3A_163 = arith.constant 0 : index
      %parallel_loop3A_164 = tpu.vector_load %arg9[%parallel_loop3A_162, %parallel_loop3A_163] {strides = array<i32>} : memref<40x128xf32, #tpu.memory_space<vmem>>, vector<16xf32>,
      tpu.vector_store %arg9[%parallel_loop3A_162, %parallel_loop3A_163], %parallel_loop3A_161 {strides = array<i32>} : memref<40x128xf32, #tpu.memory_space<vmem>>, vector<16xf32>,
      %parallel_loop3A_165 = arith.index_cast %parallel_loop3A_157 : i32 to index
      %parallel_loop3A_166 = arith.constant 16 : index
      %parallel_loop3A_167 = tpu.vector_load %arg7[%parallel_loop3A_165, %parallel_loop3A_166] {strides = array<i32>} : memref<40x128xi32, #tpu.memory_space<vmem>>, vector<16xi32>,
      %parallel_loop3A_168 = tpu.vector_load_idx %arg5[%parallel_loop3A_167] : memref<100000xf32, #tpu.memory_space<vmem>>[vector<16xi32>], vector<16xf32>,
      %parallel_loop3A_169 = arith.index_cast %parallel_loop3A_157 : i32 to index
      %parallel_loop3A_170 = arith.constant 16 : index
      %parallel_loop3A_171 = tpu.vector_load %arg9[%parallel_loop3A_169, %parallel_loop3A_170] {strides = array<i32>} : memref<40x128xf32, #tpu.memory_space<vmem>>, vector<16xf32>,
      tpu.vector_store %arg9[%parallel_loop3A_169, %parallel_loop3A_170], %parallel_loop3A_168 {strides = array<i32>} : memref<40x128xf32, #tpu.memory_space<vmem>>, vector<16xf32>,
      %parallel_loop3A_172 = arith.index_cast %parallel_loop3A_157 : i32 to index
      %parallel_loop3A_173 = arith.constant 32 : index
      %parallel_loop3A_174 = tpu.vector_load %arg7[%parallel_loop3A_172, %parallel_loop3A_173] {strides = array<i32>} : memref<40x128xi32, #tpu.memory_space<vmem>>, vector<16xi32>,
      %parallel_loop3A_175 = tpu.vector_load_idx %arg5[%parallel_loop3A_174] : memref<100000xf32, #tpu.memory_space<vmem>>[vector<16xi32>], vector<16xf32>,
      %parallel_loop3A_176 = arith.index_cast %parallel_loop3A_157 : i32 to index
      %parallel_loop3A_177 = arith.constant 32 : index
      %parallel_loop3A_178 = tpu.vector_load %arg9[%parallel_loop3A_176, %parallel_loop3A_177] {strides = array<i32>} : memref<40x128xf32, #tpu.memory_space<vmem>>, vector<16xf32>,
      tpu.vector_store %arg9[%parallel_loop3A_176, %parallel_loop3A_177], %parallel_loop3A_175 {strides = array<i32>} : memref<40x128xf32, #tpu.memory_space<vmem>>, vector<16xf32>,
      %parallel_loop3A_179 = arith.index_cast %parallel_loop3A_157 : i32 to index
      %parallel_loop3A_180 = arith.constant 48 : index
      %parallel_loop3A_181 = tpu.vector_load %arg7[%parallel_loop3A_179, %parallel_loop3A_180] {strides = array<i32>} : memref<40x128xi32, #tpu.memory_space<vmem>>, vector<16xi32>,
      %parallel_loop3A_182 = tpu.vector_load_idx %arg5[%parallel_loop3A_181] : memref<100000xf32, #tpu.memory_space<vmem>>[vector<16xi32>], vector<16xf32>,
      %parallel_loop3A_183 = arith.index_cast %parallel_loop3A_157 : i32 to index
      %parallel_loop3A_184 = arith.constant 48 : index
      %parallel_loop3A_185 = tpu.vector_load %arg9[%parallel_loop3A_183, %parallel_loop3A_184] {strides = array<i32>} : memref<40x128xf32, #tpu.memory_space<vmem>>, vector<16xf32>,
      tpu.vector_store %arg9[%parallel_loop3A_183, %parallel_loop3A_184], %parallel_loop3A_182 {strides = array<i32>} : memref<40x128xf32, #tpu.memory_space<vmem>>, vector<16xf32>,
      %parallel_loop3A_186 = arith.index_cast %parallel_loop3A_157 : i32 to index
      %parallel_loop3A_187 = arith.constant 64 : index
      %parallel_loop3A_188 = tpu.vector_load %arg7[%parallel_loop3A_186, %parallel_loop3A_187] {strides = array<i32>} : memref<40x128xi32, #tpu.memory_space<vmem>>, vector<16xi32>,
      %parallel_loop3A_189 = tpu.vector_load_idx %arg5[%parallel_loop3A_188] : memref<100000xf32, #tpu.memory_space<vmem>>[vector<16xi32>], vector<16xf32>,
      %parallel_loop3A_190 = arith.index_cast %parallel_loop3A_157 : i32 to index
      %parallel_loop3A_191 = arith.constant 64 : index
      %parallel_loop3A_192 = tpu.vector_load %arg9[%parallel_loop3A_190, %parallel_loop3A_191] {strides = array<i32>} : memref<40x128xf32, #tpu.memory_space<vmem>>, vector<16xf32>,
      tpu.vector_store %arg9[%parallel_loop3A_190, %parallel_loop3A_191], %parallel_loop3A_189 {strides = array<i32>} : memref<40x128xf32, #tpu.memory_space<vmem>>, vector<16xf32>,
      %parallel_loop3A_193 = arith.index_cast %parallel_loop3A_157 : i32 to index
      %parallel_loop3A_194 = arith.constant 80 : index
      %parallel_loop3A_195 = tpu.vector_load %arg7[%parallel_loop3A_193, %parallel_loop3A_194] {strides = array<i32>} : memref<40x128xi32, #tpu.memory_space<vmem>>, vector<16xi32>,
      %parallel_loop3A_196 = tpu.vector_load_idx %arg5[%parallel_loop3A_195] : memref<100000xf32, #tpu.memory_space<vmem>>[vector<16xi32>], vector<16xf32>,
      %parallel_loop3A_197 = arith.index_cast %parallel_loop3A_157 : i32 to index
      %parallel_loop3A_198 = arith.constant 80 : index
      %parallel_loop3A_199 = tpu.vector_load %arg9[%parallel_loop3A_197, %parallel_loop3A_198] {strides = array<i32>} : memref<40x128xf32, #tpu.memory_space<vmem>>, vector<16xf32>,
      tpu.vector_store %arg9[%parallel_loop3A_197, %parallel_loop3A_198], %parallel_loop3A_196 {strides = array<i32>} : memref<40x128xf32, #tpu.memory_space<vmem>>, vector<16xf32>,
      %parallel_loop3A_200 = arith.index_cast %parallel_loop3A_157 : i32 to index
      %parallel_loop3A_201 = arith.constant 96 : index
      %parallel_loop3A_202 = tpu.vector_load %arg7[%parallel_loop3A_200, %parallel_loop3A_201] {strides = array<i32>} : memref<40x128xi32, #tpu.memory_space<vmem>>, vector<16xi32>,
      %parallel_loop3A_203 = tpu.vector_load_idx %arg5[%parallel_loop3A_202] : memref<100000xf32, #tpu.memory_space<vmem>>[vector<16xi32>], vector<16xf32>,
      %parallel_loop3A_204 = arith.index_cast %parallel_loop3A_157 : i32 to index
      %parallel_loop3A_205 = arith.constant 96 : index
      %parallel_loop3A_206 = tpu.vector_load %arg9[%parallel_loop3A_204, %parallel_loop3A_205] {strides = array<i32>} : memref<40x128xf32, #tpu.memory_space<vmem>>, vector<16xf32>,
      tpu.vector_store %arg9[%parallel_loop3A_204, %parallel_loop3A_205], %parallel_loop3A_203 {strides = array<i32>} : memref<40x128xf32, #tpu.memory_space<vmem>>, vector<16xf32>,
      %parallel_loop3A_207 = arith.index_cast %parallel_loop3A_157 : i32 to index
      %parallel_loop3A_208 = arith.constant 112 : index
      %parallel_loop3A_209 = tpu.vector_load %arg7[%parallel_loop3A_207, %parallel_loop3A_208] {strides = array<i32>} : memref<40x128xi32, #tpu.memory_space<vmem>>, vector<16xi32>,
      %parallel_loop3A_210 = tpu.vector_load_idx %arg5[%parallel_loop3A_209] : memref<100000xf32, #tpu.memory_space<vmem>>[vector<16xi32>], vector<16xf32>,
      %parallel_loop3A_211 = arith.index_cast %parallel_loop3A_157 : i32 to index
      %parallel_loop3A_212 = arith.constant 112 : index
      %parallel_loop3A_213 = tpu.vector_load %arg9[%parallel_loop3A_211, %parallel_loop3A_212] {strides = array<i32>} : memref<40x128xf32, #tpu.memory_space<vmem>>, vector<16xf32>,
      tpu.vector_store %arg9[%parallel_loop3A_211, %parallel_loop3A_212], %parallel_loop3A_210 {strides = array<i32>} : memref<40x128xf32, #tpu.memory_space<vmem>>, vector<16xf32>,
    } {sc.loop_unroll_factor = 2 : i64, sc.parallel_access}
    %dma_start3A_81 = arith.constant 0 : i32
    %dma_start3A_82 = arith.constant 80 : i32
    %dma_start3A_83 = tpu.memref_slice %arg4[%dma_start3A_82, %mul3A_2] : memref<200x4096xf32, #tpu.memory_space<hbm>> -> memref<40x128xf32, #tpu.memory_space<hbm>>
    %dma_start3A_84 = tpu.memref_slice %arg13[%dma_start3A_81] : memref<2x!tpu.dma_semaphore, #tpu.memory_space<semaphore_mem>> -> memref<1x!tpu.dma_semaphore, #tpu.memory_space<semaphore_mem>>
    %dma_start3A_85 = tpu.memref_squeeze %dma_start3A_84 : memref<1x!tpu.dma_semaphore, #tpu.memory_space<semaphore_mem>> -> memref<!tpu.dma_semaphore, #tpu.memory_space<semaphore_mem>>
    %dma_start3A_86 = arith.constant 80 : i32
    %dma_start3A_87 = tpu.memref_slice %arg4[%dma_start3A_86, %mul3A_2] : memref<200x4096xf32, #tpu.memory_space<hbm>> -> memref<40x128xf32, #tpu.memory_space<hbm>>
    tpu.enqueue_dma source(%arg9 : memref<40x128xf32, #tpu.memory_space<vmem>>) target(%dma_start3A_87 : memref<40x128xf32, #tpu.memory_space<hbm>>) target_semaphore(%dma_start3A_85 : memref<!tpu.dma_semaphore, #tpu.memory_space<semaphore_mem>>)
    %dma_start3A_88 = arith.constant 0 : i32
    %dma_start3A_89 = arith.constant 160 : i32
    %dma_start3A_90 = tpu.memref_slice %arg2[%dma_start3A_89, %mul3A_2] : memref<200x4096xi32, #tpu.memory_space<hbm>> -> memref<40x128xi32, #tpu.memory_space<hbm>>
    %dma_start3A_91 = tpu.memref_slice %arg12[%dma_start3A_88] : memref<2x!tpu.dma_semaphore, #tpu.memory_space<semaphore_mem>> -> memref<1x!tpu.dma_semaphore, #tpu.memory_space<semaphore_mem>>
    %dma_start3A_92 = tpu.memref_squeeze %dma_start3A_91 : memref<1x!tpu.dma_semaphore, #tpu.memory_space<semaphore_mem>> -> memref<!tpu.dma_semaphore, #tpu.memory_space<semaphore_mem>>
    %dma_start3A_93 = arith.constant 160 : i32
    %dma_start3A_94 = tpu.memref_slice %arg2[%dma_start3A_93, %mul3A_2] : memref<200x4096xi32, #tpu.memory_space<hbm>> -> memref<40x128xi32, #tpu.memory_space<hbm>>
    tpu.enqueue_dma source(%dma_start3A_94 : memref<40x128xi32, #tpu.memory_space<hbm>>) target(%arg7 : memref<40x128xi32, #tpu.memory_space<vmem>>) target_semaphore(%dma_start3A_92 : memref<!tpu.dma_semaphore, #tpu.memory_space<semaphore_mem>>)
    %dma_wait3A_95 = arith.constant 1 : i32
    %dma_wait3A_96 = arith.constant 120 : i32
    %dma_wait3A_97 = tpu.memref_slice %arg2[%dma_wait3A_96, %mul3A_2] : memref<200x4096xi32, #tpu.memory_space<hbm>> -> memref<40x128xi32, #tpu.memory_space<hbm>>
    %dma_wait3A_98 = tpu.memref_slice %arg12[%dma_wait3A_95] : memref<2x!tpu.dma_semaphore, #tpu.memory_space<semaphore_mem>> -> memref<1x!tpu.dma_semaphore, #tpu.memory_space<semaphore_mem>>
    %dma_wait3A_99 = tpu.memref_squeeze %dma_wait3A_98 : memref<1x!tpu.dma_semaphore, #tpu.memory_space<semaphore_mem>> -> memref<!tpu.dma_semaphore, #tpu.memory_space<semaphore_mem>>
    %dma_wait3A_100 = arith.constant 120 : i32
    %dma_wait3A_101 = tpu.memref_slice %arg2[%dma_wait3A_100, %mul3A_2] : memref<200x4096xi32, #tpu.memory_space<hbm>> -> memref<40x128xi32, #tpu.memory_space<hbm>>
    tpu.wait_dma2 semaphore(%dma_wait3A_99 : memref<!tpu.dma_semaphore, #tpu.memory_space<semaphore_mem>>) src(%dma_wait3A_101 : memref<40x128xi32, #tpu.memory_space<hbm>>) dst(%arg8 : memref<40x128xi32, #tpu.memory_space<vmem>>)
    %dma_wait3A_102 = arith.constant 1 : i32
    %dma_wait3A_103 = arith.constant 40 : i32
    %dma_wait3A_104 = tpu.memref_slice %arg4[%dma_wait3A_103, %mul3A_2] : memref<200x4096xf32, #tpu.memory_space<hbm>> -> memref<40x128xf32, #tpu.memory_space<hbm>>
    %dma_wait3A_105 = tpu.memref_slice %arg13[%dma_wait3A_102] : memref<2x!tpu.dma_semaphore, #tpu.memory_space<semaphore_mem>> -> memref<1x!tpu.dma_semaphore, #tpu.memory_space<semaphore_mem>>
    %dma_wait3A_106 = tpu.memref_squeeze %dma_wait3A_105 : memref<1x!tpu.dma_semaphore, #tpu.memory_space<semaphore_mem>> -> memref<!tpu.dma_semaphore, #tpu.memory_space<semaphore_mem>>
    %dma_wait3A_107 = arith.constant 40 : i32
    %dma_wait3A_108 = tpu.memref_slice %arg4[%dma_wait3A_107, %mul3A_2] : memref<200x4096xf32, #tpu.memory_space<hbm>> -> memref<40x128xf32, #tpu.memory_space<hbm>>
    tpu.wait_dma2 semaphore(%dma_wait3A_106 : memref<!tpu.dma_semaphore, #tpu.memory_space<semaphore_mem>>) src(%arg10 : memref<40x128xf32, #tpu.memory_space<vmem>>) dst(%dma_wait3A_108 : memref<40x128xf32, #tpu.memory_space<hbm>>)
    %parallel_loop3A_109 = arith.constant 0 : i32
    %parallel_loop3A_110 = arith.constant 40 : i32
    %parallel_loop3A_111 = arith.constant 1 : i32
    scf.for %parallel_loop3A_157 = %parallel_loop3A_109 to %parallel_loop3A_110 step %parallel_loop3A_111  : i32 {
      %parallel_loop3A_158 = arith.index_cast %parallel_loop3A_157 : i32 to index
      %parallel_loop3A_159 = arith.constant 0 : index
      %parallel_loop3A_160 = tpu.vector_load %arg8[%parallel_loop3A_158, %parallel_loop3A_159] {strides = array<i32>} : memref<40x128xi32, #tpu.memory_space<vmem>>, vector<16xi32>,
      %parallel_loop3A_161 = tpu.vector_load_idx %arg5[%parallel_loop3A_160] : memref<100000xf32, #tpu.memory_space<vmem>>[vector<16xi32>], vector<16xf32>,
      %parallel_loop3A_162 = arith.index_cast %parallel_loop3A_157 : i32 to index
      %parallel_loop3A_163 = arith.constant 0 : index
      %parallel_loop3A_164 = tpu.vector_load %arg10[%parallel_loop3A_162, %parallel_loop3A_163] {strides = array<i32>} : memref<40x128xf32, #tpu.memory_space<vmem>>, vector<16xf32>,
      tpu.vector_store %arg10[%parallel_loop3A_162, %parallel_loop3A_163], %parallel_loop3A_161 {strides = array<i32>} : memref<40x128xf32, #tpu.memory_space<vmem>>, vector<16xf32>,
      %parallel_loop3A_165 = arith.index_cast %parallel_loop3A_157 : i32 to index
      %parallel_loop3A_166 = arith.constant 16 : index
      %parallel_loop3A_167 = tpu.vector_load %arg8[%parallel_loop3A_165, %parallel_loop3A_166] {strides = array<i32>} : memref<40x128xi32, #tpu.memory_space<vmem>>, vector<16xi32>,
      %parallel_loop3A_168 = tpu.vector_load_idx %arg5[%parallel_loop3A_167] : memref<100000xf32, #tpu.memory_space<vmem>>[vector<16xi32>], vector<16xf32>,
      %parallel_loop3A_169 = arith.index_cast %parallel_loop3A_157 : i32 to index
      %parallel_loop3A_170 = arith.constant 16 : index
      %parallel_loop3A_171 = tpu.vector_load %arg10[%parallel_loop3A_169, %parallel_loop3A_170] {strides = array<i32>} : memref<40x128xf32, #tpu.memory_space<vmem>>, vector<16xf32>,
      tpu.vector_store %arg10[%parallel_loop3A_169, %parallel_loop3A_170], %parallel_loop3A_168 {strides = array<i32>} : memref<40x128xf32, #tpu.memory_space<vmem>>, vector<16xf32>,
      %parallel_loop3A_172 = arith.index_cast %parallel_loop3A_157 : i32 to index
      %parallel_loop3A_173 = arith.constant 32 : index
      %parallel_loop3A_174 = tpu.vector_load %arg8[%parallel_loop3A_172, %parallel_loop3A_173] {strides = array<i32>} : memref<40x128xi32, #tpu.memory_space<vmem>>, vector<16xi32>,
      %parallel_loop3A_175 = tpu.vector_load_idx %arg5[%parallel_loop3A_174] : memref<100000xf32, #tpu.memory_space<vmem>>[vector<16xi32>], vector<16xf32>,
      %parallel_loop3A_176 = arith.index_cast %parallel_loop3A_157 : i32 to index
      %parallel_loop3A_177 = arith.constant 32 : index
      %parallel_loop3A_178 = tpu.vector_load %arg10[%parallel_loop3A_176, %parallel_loop3A_177] {strides = array<i32>} : memref<40x128xf32, #tpu.memory_space<vmem>>, vector<16xf32>,
      tpu.vector_store %arg10[%parallel_loop3A_176, %parallel_loop3A_177], %parallel_loop3A_175 {strides = array<i32>} : memref<40x128xf32, #tpu.memory_space<vmem>>, vector<16xf32>,
      %parallel_loop3A_179 = arith.index_cast %parallel_loop3A_157 : i32 to index
      %parallel_loop3A_180 = arith.constant 48 : index
      %parallel_loop3A_181 = tpu.vector_load %arg8[%parallel_loop3A_179, %parallel_loop3A_180] {strides = array<i32>} : memref<40x128xi32, #tpu.memory_space<vmem>>, vector<16xi32>,
      %parallel_loop3A_182 = tpu.vector_load_idx %arg5[%parallel_loop3A_181] : memref<100000xf32, #tpu.memory_space<vmem>>[vector<16xi32>], vector<16xf32>,
      %parallel_loop3A_183 = arith.index_cast %parallel_loop3A_157 : i32 to index
      %parallel_loop3A_184 = arith.constant 48 : index
      %parallel_loop3A_185 = tpu.vector_load %arg10[%parallel_loop3A_183, %parallel_loop3A_184] {strides = array<i32>} : memref<40x128xf32, #tpu.memory_space<vmem>>, vector<16xf32>,
      tpu.vector_store %arg10[%parallel_loop3A_183, %parallel_loop3A_184], %parallel_loop3A_182 {strides = array<i32>} : memref<40x128xf32, #tpu.memory_space<vmem>>, vector<16xf32>,
      %parallel_loop3A_186 = arith.index_cast %parallel_loop3A_157 : i32 to index
      %parallel_loop3A_187 = arith.constant 64 : index
      %parallel_loop3A_188 = tpu.vector_load %arg8[%parallel_loop3A_186, %parallel_loop3A_187] {strides = array<i32>} : memref<40x128xi32, #tpu.memory_space<vmem>>, vector<16xi32>,
      %parallel_loop3A_189 = tpu.vector_load_idx %arg5[%parallel_loop3A_188] : memref<100000xf32, #tpu.memory_space<vmem>>[vector<16xi32>], vector<16xf32>,
      %parallel_loop3A_190 = arith.index_cast %parallel_loop3A_157 : i32 to index
      %parallel_loop3A_191 = arith.constant 64 : index
      %parallel_loop3A_192 = tpu.vector_load %arg10[%parallel_loop3A_190, %parallel_loop3A_191] {strides = array<i32>} : memref<40x128xf32, #tpu.memory_space<vmem>>, vector<16xf32>,
      tpu.vector_store %arg10[%parallel_loop3A_190, %parallel_loop3A_191], %parallel_loop3A_189 {strides = array<i32>} : memref<40x128xf32, #tpu.memory_space<vmem>>, vector<16xf32>,
      %parallel_loop3A_193 = arith.index_cast %parallel_loop3A_157 : i32 to index
      %parallel_loop3A_194 = arith.constant 80 : index
      %parallel_loop3A_195 = tpu.vector_load %arg8[%parallel_loop3A_193, %parallel_loop3A_194] {strides = array<i32>} : memref<40x128xi32, #tpu.memory_space<vmem>>, vector<16xi32>,
      %parallel_loop3A_196 = tpu.vector_load_idx %arg5[%parallel_loop3A_195] : memref<100000xf32, #tpu.memory_space<vmem>>[vector<16xi32>], vector<16xf32>,
      %parallel_loop3A_197 = arith.index_cast %parallel_loop3A_157 : i32 to index
      %parallel_loop3A_198 = arith.constant 80 : index
      %parallel_loop3A_199 = tpu.vector_load %arg10[%parallel_loop3A_197, %parallel_loop3A_198] {strides = array<i32>} : memref<40x128xf32, #tpu.memory_space<vmem>>, vector<16xf32>,
      tpu.vector_store %arg10[%parallel_loop3A_197, %parallel_loop3A_198], %parallel_loop3A_196 {strides = array<i32>} : memref<40x128xf32, #tpu.memory_space<vmem>>, vector<16xf32>,
      %parallel_loop3A_200 = arith.index_cast %parallel_loop3A_157 : i32 to index
      %parallel_loop3A_201 = arith.constant 96 : index
      %parallel_loop3A_202 = tpu.vector_load %arg8[%parallel_loop3A_200, %parallel_loop3A_201] {strides = array<i32>} : memref<40x128xi32, #tpu.memory_space<vmem>>, vector<16xi32>,
      %parallel_loop3A_203 = tpu.vector_load_idx %arg5[%parallel_loop3A_202] : memref<100000xf32, #tpu.memory_space<vmem>>[vector<16xi32>], vector<16xf32>,
      %parallel_loop3A_204 = arith.index_cast %parallel_loop3A_157 : i32 to index
      %parallel_loop3A_205 = arith.constant 96 : index
      %parallel_loop3A_206 = tpu.vector_load %arg10[%parallel_loop3A_204, %parallel_loop3A_205] {strides = array<i32>} : memref<40x128xf32, #tpu.memory_space<vmem>>, vector<16xf32>,
      tpu.vector_store %arg10[%parallel_loop3A_204, %parallel_loop3A_205], %parallel_loop3A_203 {strides = array<i32>} : memref<40x128xf32, #tpu.memory_space<vmem>>, vector<16xf32>,
      %parallel_loop3A_207 = arith.index_cast %parallel_loop3A_157 : i32 to index
      %parallel_loop3A_208 = arith.constant 112 : index
      %parallel_loop3A_209 = tpu.vector_load %arg8[%parallel_loop3A_207, %parallel_loop3A_208] {strides = array<i32>} : memref<40x128xi32, #tpu.memory_space<vmem>>, vector<16xi32>,
      %parallel_loop3A_210 = tpu.vector_load_idx %arg5[%parallel_loop3A_209] : memref<100000xf32, #tpu.memory_space<vmem>>[vector<16xi32>], vector<16xf32>,
      %parallel_loop3A_211 = arith.index_cast %parallel_loop3A_157 : i32 to index
      %parallel_loop3A_212 = arith.constant 112 : index
      %parallel_loop3A_213 = tpu.vector_load %arg10[%parallel_loop3A_211, %parallel_loop3A_212] {strides = array<i32>} : memref<40x128xf32, #tpu.memory_space<vmem>>, vector<16xf32>,
      tpu.vector_store %arg10[%parallel_loop3A_211, %parallel_loop3A_212], %parallel_loop3A_210 {strides = array<i32>} : memref<40x128xf32, #tpu.memory_space<vmem>>, vector<16xf32>,
    } {sc.loop_unroll_factor = 2 : i64, sc.parallel_access}
    %dma_start3A_112 = arith.constant 1 : i32
    %dma_start3A_113 = arith.constant 120 : i32
    %dma_start3A_114 = tpu.memref_slice %arg4[%dma_start3A_113, %mul3A_2] : memref<200x4096xf32, #tpu.memory_space<hbm>> -> memref<40x128xf32, #tpu.memory_space<hbm>>
    %dma_start3A_115 = tpu.memref_slice %arg13[%dma_start3A_112] : memref<2x!tpu.dma_semaphore, #tpu.memory_space<semaphore_mem>> -> memref<1x!tpu.dma_semaphore, #tpu.memory_space<semaphore_mem>>
    %dma_start3A_116 = tpu.memref_squeeze %dma_start3A_115 : memref<1x!tpu.dma_semaphore, #tpu.memory_space<semaphore_mem>> -> memref<!tpu.dma_semaphore, #tpu.memory_space<semaphore_mem>>
    %dma_start3A_117 = arith.constant 120 : i32
    %dma_start3A_118 = tpu.memref_slice %arg4[%dma_start3A_117, %mul3A_2] : memref<200x4096xf32, #tpu.memory_space<hbm>> -> memref<40x128xf32, #tpu.memory_space<hbm>>
    tpu.enqueue_dma source(%arg10 : memref<40x128xf32, #tpu.memory_space<vmem>>) target(%dma_start3A_118 : memref<40x128xf32, #tpu.memory_space<hbm>>) target_semaphore(%dma_start3A_116 : memref<!tpu.dma_semaphore, #tpu.memory_space<semaphore_mem>>)
    %dma_wait3A_119 = arith.constant 0 : i32
    %dma_wait3A_120 = arith.constant 160 : i32
    %dma_wait3A_121 = tpu.memref_slice %arg2[%dma_wait3A_120, %mul3A_2] : memref<200x4096xi32, #tpu.memory_space<hbm>> -> memref<40x128xi32, #tpu.memory_space<hbm>>
    %dma_wait3A_122 = tpu.memref_slice %arg12[%dma_wait3A_119] : memref<2x!tpu.dma_semaphore, #tpu.memory_space<semaphore_mem>> -> memref<1x!tpu.dma_semaphore, #tpu.memory_space<semaphore_mem>>
    %dma_wait3A_123 = tpu.memref_squeeze %dma_wait3A_122 : memref<1x!tpu.dma_semaphore, #tpu.memory_space<semaphore_mem>> -> memref<!tpu.dma_semaphore, #tpu.memory_space<semaphore_mem>>
    %dma_wait3A_124 = arith.constant 160 : i32
    %dma_wait3A_125 = tpu.memref_slice %arg2[%dma_wait3A_124, %mul3A_2] : memref<200x4096xi32, #tpu.memory_space<hbm>> -> memref<40x128xi32, #tpu.memory_space<hbm>>
    tpu.wait_dma2 semaphore(%dma_wait3A_123 : memref<!tpu.dma_semaphore, #tpu.memory_space<semaphore_mem>>) src(%dma_wait3A_125 : memref<40x128xi32, #tpu.memory_space<hbm>>) dst(%arg7 : memref<40x128xi32, #tpu.memory_space<vmem>>)
    %dma_wait3A_126 = arith.constant 0 : i32
    %dma_wait3A_127 = arith.constant 80 : i32
    %dma_wait3A_128 = tpu.memref_slice %arg4[%dma_wait3A_127, %mul3A_2] : memref<200x4096xf32, #tpu.memory_space<hbm>> -> memref<40x128xf32, #tpu.memory_space<hbm>>
    %dma_wait3A_129 = tpu.memref_slice %arg13[%dma_wait3A_126] : memref<2x!tpu.dma_semaphore, #tpu.memory_space<semaphore_mem>> -> memref<1x!tpu.dma_semaphore, #tpu.memory_space<semaphore_mem>>
    %dma_wait3A_130 = tpu.memref_squeeze %dma_wait3A_129 : memref<1x!tpu.dma_semaphore, #tpu.memory_space<semaphore_mem>> -> memref<!tpu.dma_semaphore, #tpu.memory_space<semaphore_mem>>
    %dma_wait3A_131 = arith.constant 80 : i32
    %dma_wait3A_132 = tpu.memref_slice %arg4[%dma_wait3A_131, %mul3A_2] : memref<200x4096xf32, #tpu.memory_space<hbm>> -> memref<40x128xf32, #tpu.memory_space<hbm>>
    tpu.wait_dma2 semaphore(%dma_wait3A_130 : memref<!tpu.dma_semaphore, #tpu.memory_space<semaphore_mem>>) src(%arg9 : memref<40x128xf32, #tpu.memory_space<vmem>>) dst(%dma_wait3A_132 : memref<40x128xf32, #tpu.memory_space<hbm>>)
    %parallel_loop3A_133 = arith.constant 0 : i32
    %parallel_loop3A_134 = arith.constant 40 : i32
    %parallel_loop3A_135 = arith.constant 1 : i32
    scf.for %parallel_loop3A_157 = %parallel_loop3A_133 to %parallel_loop3A_134 step %parallel_loop3A_135  : i32 {
      %parallel_loop3A_158 = arith.index_cast %parallel_loop3A_157 : i32 to index
      %parallel_loop3A_159 = arith.constant 0 : index
      %parallel_loop3A_160 = tpu.vector_load %arg7[%parallel_loop3A_158, %parallel_loop3A_159] {strides = array<i32>} : memref<40x128xi32, #tpu.memory_space<vmem>>, vector<16xi32>,
      %parallel_loop3A_161 = tpu.vector_load_idx %arg5[%parallel_loop3A_160] : memref<100000xf32, #tpu.memory_space<vmem>>[vector<16xi32>], vector<16xf32>,
      %parallel_loop3A_162 = arith.index_cast %parallel_loop3A_157 : i32 to index
      %parallel_loop3A_163 = arith.constant 0 : index
      %parallel_loop3A_164 = tpu.vector_load %arg9[%parallel_loop3A_162, %parallel_loop3A_163] {strides = array<i32>} : memref<40x128xf32, #tpu.memory_space<vmem>>, vector<16xf32>,
      tpu.vector_store %arg9[%parallel_loop3A_162, %parallel_loop3A_163], %parallel_loop3A_161 {strides = array<i32>} : memref<40x128xf32, #tpu.memory_space<vmem>>, vector<16xf32>,
      %parallel_loop3A_165 = arith.index_cast %parallel_loop3A_157 : i32 to index
      %parallel_loop3A_166 = arith.constant 16 : index
      %parallel_loop3A_167 = tpu.vector_load %arg7[%parallel_loop3A_165, %parallel_loop3A_166] {strides = array<i32>} : memref<40x128xi32, #tpu.memory_space<vmem>>, vector<16xi32>,
      %parallel_loop3A_168 = tpu.vector_load_idx %arg5[%parallel_loop3A_167] : memref<100000xf32, #tpu.memory_space<vmem>>[vector<16xi32>], vector<16xf32>,
      %parallel_loop3A_169 = arith.index_cast %parallel_loop3A_157 : i32 to index
      %parallel_loop3A_170 = arith.constant 16 : index
      %parallel_loop3A_171 = tpu.vector_load %arg9[%parallel_loop3A_169, %parallel_loop3A_170] {strides = array<i32>} : memref<40x128xf32, #tpu.memory_space<vmem>>, vector<16xf32>,
      tpu.vector_store %arg9[%parallel_loop3A_169, %parallel_loop3A_170], %parallel_loop3A_168 {strides = array<i32>} : memref<40x128xf32, #tpu.memory_space<vmem>>, vector<16xf32>,
      %parallel_loop3A_172 = arith.index_cast %parallel_loop3A_157 : i32 to index
      %parallel_loop3A_173 = arith.constant 32 : index
      %parallel_loop3A_174 = tpu.vector_load %arg7[%parallel_loop3A_172, %parallel_loop3A_173] {strides = array<i32>} : memref<40x128xi32, #tpu.memory_space<vmem>>, vector<16xi32>,
      %parallel_loop3A_175 = tpu.vector_load_idx %arg5[%parallel_loop3A_174] : memref<100000xf32, #tpu.memory_space<vmem>>[vector<16xi32>], vector<16xf32>,
      %parallel_loop3A_176 = arith.index_cast %parallel_loop3A_157 : i32 to index
      %parallel_loop3A_177 = arith.constant 32 : index
      %parallel_loop3A_178 = tpu.vector_load %arg9[%parallel_loop3A_176, %parallel_loop3A_177] {strides = array<i32>} : memref<40x128xf32, #tpu.memory_space<vmem>>, vector<16xf32>,
      tpu.vector_store %arg9[%parallel_loop3A_176, %parallel_loop3A_177], %parallel_loop3A_175 {strides = array<i32>} : memref<40x128xf32, #tpu.memory_space<vmem>>, vector<16xf32>,
      %parallel_loop3A_179 = arith.index_cast %parallel_loop3A_157 : i32 to index
      %parallel_loop3A_180 = arith.constant 48 : index
      %parallel_loop3A_181 = tpu.vector_load %arg7[%parallel_loop3A_179, %parallel_loop3A_180] {strides = array<i32>} : memref<40x128xi32, #tpu.memory_space<vmem>>, vector<16xi32>,
      %parallel_loop3A_182 = tpu.vector_load_idx %arg5[%parallel_loop3A_181] : memref<100000xf32, #tpu.memory_space<vmem>>[vector<16xi32>], vector<16xf32>,
      %parallel_loop3A_183 = arith.index_cast %parallel_loop3A_157 : i32 to index
      %parallel_loop3A_184 = arith.constant 48 : index
      %parallel_loop3A_185 = tpu.vector_load %arg9[%parallel_loop3A_183, %parallel_loop3A_184] {strides = array<i32>} : memref<40x128xf32, #tpu.memory_space<vmem>>, vector<16xf32>,
      tpu.vector_store %arg9[%parallel_loop3A_183, %parallel_loop3A_184], %parallel_loop3A_182 {strides = array<i32>} : memref<40x128xf32, #tpu.memory_space<vmem>>, vector<16xf32>,
      %parallel_loop3A_186 = arith.index_cast %parallel_loop3A_157 : i32 to index
      %parallel_loop3A_187 = arith.constant 64 : index
      %parallel_loop3A_188 = tpu.vector_load %arg7[%parallel_loop3A_186, %parallel_loop3A_187] {strides = array<i32>} : memref<40x128xi32, #tpu.memory_space<vmem>>, vector<16xi32>,
      %parallel_loop3A_189 = tpu.vector_load_idx %arg5[%parallel_loop3A_188] : memref<100000xf32, #tpu.memory_space<vmem>>[vector<16xi32>], vector<16xf32>,
      %parallel_loop3A_190 = arith.index_cast %parallel_loop3A_157 : i32 to index
      %parallel_loop3A_191 = arith.constant 64 : index
      %parallel_loop3A_192 = tpu.vector_load %arg9[%parallel_loop3A_190, %parallel_loop3A_191] {strides = array<i32>} : memref<40x128xf32, #tpu.memory_space<vmem>>, vector<16xf32>,
      tpu.vector_store %arg9[%parallel_loop3A_190, %parallel_loop3A_191], %parallel_loop3A_189 {strides = array<i32>} : memref<40x128xf32, #tpu.memory_space<vmem>>, vector<16xf32>,
      %parallel_loop3A_193 = arith.index_cast %parallel_loop3A_157 : i32 to index
      %parallel_loop3A_194 = arith.constant 80 : index
      %parallel_loop3A_195 = tpu.vector_load %arg7[%parallel_loop3A_193, %parallel_loop3A_194] {strides = array<i32>} : memref<40x128xi32, #tpu.memory_space<vmem>>, vector<16xi32>,
      %parallel_loop3A_196 = tpu.vector_load_idx %arg5[%parallel_loop3A_195] : memref<100000xf32, #tpu.memory_space<vmem>>[vector<16xi32>], vector<16xf32>,
      %parallel_loop3A_197 = arith.index_cast %parallel_loop3A_157 : i32 to index
      %parallel_loop3A_198 = arith.constant 80 : index
      %parallel_loop3A_199 = tpu.vector_load %arg9[%parallel_loop3A_197, %parallel_loop3A_198] {strides = array<i32>} : memref<40x128xf32, #tpu.memory_space<vmem>>, vector<16xf32>,
      tpu.vector_store %arg9[%parallel_loop3A_197, %parallel_loop3A_198], %parallel_loop3A_196 {strides = array<i32>} : memref<40x128xf32, #tpu.memory_space<vmem>>, vector<16xf32>,
      %parallel_loop3A_200 = arith.index_cast %parallel_loop3A_157 : i32 to index
      %parallel_loop3A_201 = arith.constant 96 : index
      %parallel_loop3A_202 = tpu.vector_load %arg7[%parallel_loop3A_200, %parallel_loop3A_201] {strides = array<i32>} : memref<40x128xi32, #tpu.memory_space<vmem>>, vector<16xi32>,
      %parallel_loop3A_203 = tpu.vector_load_idx %arg5[%parallel_loop3A_202] : memref<100000xf32, #tpu.memory_space<vmem>>[vector<16xi32>], vector<16xf32>,
      %parallel_loop3A_204 = arith.index_cast %parallel_loop3A_157 : i32 to index
      %parallel_loop3A_205 = arith.constant 96 : index
      %parallel_loop3A_206 = tpu.vector_load %arg9[%parallel_loop3A_204, %parallel_loop3A_205] {strides = array<i32>} : memref<40x128xf32, #tpu.memory_space<vmem>>, vector<16xf32>,
      tpu.vector_store %arg9[%parallel_loop3A_204, %parallel_loop3A_205], %parallel_loop3A_203 {strides = array<i32>} : memref<40x128xf32, #tpu.memory_space<vmem>>, vector<16xf32>,
      %parallel_loop3A_207 = arith.index_cast %parallel_loop3A_157 : i32 to index
      %parallel_loop3A_208 = arith.constant 112 : index
      %parallel_loop3A_209 = tpu.vector_load %arg7[%parallel_loop3A_207, %parallel_loop3A_208] {strides = array<i32>} : memref<40x128xi32, #tpu.memory_space<vmem>>, vector<16xi32>,
      %parallel_loop3A_210 = tpu.vector_load_idx %arg5[%parallel_loop3A_209] : memref<100000xf32, #tpu.memory_space<vmem>>[vector<16xi32>], vector<16xf32>,
      %parallel_loop3A_211 = arith.index_cast %parallel_loop3A_157 : i32 to index
      %parallel_loop3A_212 = arith.constant 112 : index
      %parallel_loop3A_213 = tpu.vector_load %arg9[%parallel_loop3A_211, %parallel_loop3A_212] {strides = array<i32>} : memref<40x128xf32, #tpu.memory_space<vmem>>, vector<16xf32>,
      tpu.vector_store %arg9[%parallel_loop3A_211, %parallel_loop3A_212], %parallel_loop3A_210 {strides = array<i32>} : memref<40x128xf32, #tpu.memory_space<vmem>>, vector<16xf32>,
    } {sc.loop_unroll_factor = 2 : i64, sc.parallel_access}
    %dma_start3A_136 = arith.constant 0 : i32
    %dma_start3A_137 = arith.constant 160 : i32
    %dma_start3A_138 = tpu.memref_slice %arg4[%dma_start3A_137, %mul3A_2] : memref<200x4096xf32, #tpu.memory_space<hbm>> -> memref<40x128xf32, #tpu.memory_space<hbm>>
    %dma_start3A_139 = tpu.memref_slice %arg13[%dma_start3A_136] : memref<2x!tpu.dma_semaphore, #tpu.memory_space<semaphore_mem>> -> memref<1x!tpu.dma_semaphore, #tpu.memory_space<semaphore_mem>>
    %dma_start3A_140 = tpu.memref_squeeze %dma_start3A_139 : memref<1x!tpu.dma_semaphore, #tpu.memory_space<semaphore_mem>> -> memref<!tpu.dma_semaphore, #tpu.memory_space<semaphore_mem>>
    %dma_start3A_141 = arith.constant 160 : i32
    %dma_start3A_142 = tpu.memref_slice %arg4[%dma_start3A_141, %mul3A_2] : memref<200x4096xf32, #tpu.memory_space<hbm>> -> memref<40x128xf32, #tpu.memory_space<hbm>>
    tpu.enqueue_dma source(%arg9 : memref<40x128xf32, #tpu.memory_space<vmem>>) target(%dma_start3A_142 : memref<40x128xf32, #tpu.memory_space<hbm>>) target_semaphore(%dma_start3A_140 : memref<!tpu.dma_semaphore, #tpu.memory_space<semaphore_mem>>)
    %dma_wait3A_143 = arith.constant 1 : i32
    %dma_wait3A_144 = arith.constant 120 : i32
    %dma_wait3A_145 = tpu.memref_slice %arg4[%dma_wait3A_144, %mul3A_2] : memref<200x4096xf32, #tpu.memory_space<hbm>> -> memref<40x128xf32, #tpu.memory_space<hbm>>
    %dma_wait3A_146 = tpu.memref_slice %arg13[%dma_wait3A_143] : memref<2x!tpu.dma_semaphore, #tpu.memory_space<semaphore_mem>> -> memref<1x!tpu.dma_semaphore, #tpu.memory_space<semaphore_mem>>
    %dma_wait3A_147 = tpu.memref_squeeze %dma_wait3A_146 : memref<1x!tpu.dma_semaphore, #tpu.memory_space<semaphore_mem>> -> memref<!tpu.dma_semaphore, #tpu.memory_space<semaphore_mem>>
    %dma_wait3A_148 = arith.constant 120 : i32
    %dma_wait3A_149 = tpu.memref_slice %arg4[%dma_wait3A_148, %mul3A_2] : memref<200x4096xf32, #tpu.memory_space<hbm>> -> memref<40x128xf32, #tpu.memory_space<hbm>>
    tpu.wait_dma2 semaphore(%dma_wait3A_147 : memref<!tpu.dma_semaphore, #tpu.memory_space<semaphore_mem>>) src(%arg10 : memref<40x128xf32, #tpu.memory_space<vmem>>) dst(%dma_wait3A_149 : memref<40x128xf32, #tpu.memory_space<hbm>>)
    %dma_wait3A_150 = arith.constant 0 : i32
    %dma_wait3A_151 = arith.constant 160 : i32
    %dma_wait3A_152 = tpu.memref_slice %arg4[%dma_wait3A_151, %mul3A_2] : memref<200x4096xf32, #tpu.memory_space<hbm>> -> memref<40x128xf32, #tpu.memory_space<hbm>>
    %dma_wait3A_153 = tpu.memref_slice %arg13[%dma_wait3A_150] : memref<2x!tpu.dma_semaphore, #tpu.memory_space<semaphore_mem>> -> memref<1x!tpu.dma_semaphore, #tpu.memory_space<semaphore_mem>>
    %dma_wait3A_154 = tpu.memref_squeeze %dma_wait3A_153 : memref<1x!tpu.dma_semaphore, #tpu.memory_space<semaphore_mem>> -> memref<!tpu.dma_semaphore, #tpu.memory_space<semaphore_mem>>
    %dma_wait3A_155 = arith.constant 160 : i32
    %dma_wait3A_156 = tpu.memref_slice %arg4[%dma_wait3A_155, %mul3A_2] : memref<200x4096xf32, #tpu.memory_space<hbm>> -> memref<40x128xf32, #tpu.memory_space<hbm>>
    tpu.wait_dma2 semaphore(%dma_wait3A_154 : memref<!tpu.dma_semaphore, #tpu.memory_space<semaphore_mem>>) src(%arg9 : memref<40x128xf32, #tpu.memory_space<vmem>>) dst(%dma_wait3A_156 : memref<40x128xf32, #tpu.memory_space<hbm>>)
    return
  }
}

</mosaic_0001>

<sc_bundles>
// kernel: _sc_gather.3.cloned.1.call-start
scs
__scs_entry_jumppad:
0x0: {  	(pc) =	sbr.rel $0x88, $3  }
0x1: {  	(tag) =	ssettag $0x0;
	lr =	simm.s32 $0x1  }
0x2: {  	[smem:$0x3F9F] =	sst lr;
	_ =	strace $0xD0000000  }
0x3: {  	_ = 	snop  }
0x4: {  	_ = 	snop  }
0x5: {  	_ = 	snop  }
0x6: {  	_ = 	snop  }
0x7: {  	_ = 	snop  }
__scs_overlays_trampoline_lowered:
0x8: {  	[smem:$0x3FAE] =	sst s0  }
0x9: {  	[smem:$0x3FAF] =	sst s1  }
0xa: {  	[smem:$0x3FB0] =	sst s2  }
0xb: {  	[smem:$0x3FB1] =	sst s3  }
0xc: {  	[smem:$0x3FB2] =	sst s4  }
0xd: {  	[smem:$0x3FB3] =	sst s5  }
0xe: {  	[smem:$0x3FB4] =	sst s6  }
0xf: {  	[smem:$0x3FB5] =	sst s7  }
0x10: {  	[smem:$0x3FB6] =	sst s8  }
0x11: {  	[smem:$0x3FB7] =	sst s9;
	s0 =	simm.s32 @!p0 $0x0  }
0x12: {  	s1 =	sld [smem:$0x3F9D];
	s0 =	simm.s32 @p0 $0x1  }
0x13: {  	[smem:$0x3FB8] =	sst s0;
	s0 =	simm.s32 @!p1 $0x0  }
0x14: {  	s2 =	sld [smem:$0x3F9C];
	s0 =	simm.s32 @p1 $0x1  }
0x15: {  	[smem:$0x3FB9] =	sst s0;
	s0 =	simm.s32 @!p2 $0x0  }
0x16: {  	s3 =	sld [smem:$0x3FDB];
	s0 =	simm.s32 @p2 $0x1  }
0x17: {  	s4 =	simm.s32 $0x1BF5;
	[smem:$0x3FBB] =	sst s0  }
0x18: {  	s0 =	sld [smem:$0x3F9E];
	_ =	swait.ge [sflag:s4], $0x0  }
0x19: {  	s7 =	sld [smem:$0x3F9F]  }
0x1a: {  	s8 =	sadd.s32 $0xFFFFE003, lr  }
0x1b: {  	s9 =	sadd.s32 $0xFFFFFEF7, lr;
	s5 =	simm.s32 $0xFFFFFFFF;
	p2 =	slt.u32 s8, $0xFFFFF086  }
0x1c: {  	p1 =	slt.u32 s9, $0xF7A;
	s5 =	simm.s32 @!p2 $0x0  }
0x1d: {  	s5 =	simm.s32 @p1 $0x1;
	p0 =	seq.s32 s7, s2  }
0x1e: {  	s7 =	smul.u32 @!p0 $0xF7A, s2;
	p2 =	seq.s32 @!p0 s5, $0x0  }
0x1f: {  	s9 =	smul.u32 $0xF7A, s1;
	s8 =	simm.s32 @!p0 $0x1BF5;
	p2 =	por !p2, p0  }
0x20: {  	[sflag:s8] =	ssyncset.s32 @!p0 $0xFFFFF086;
	s6 =	sadd.s32 @!p0 s3, s7;
	s7 =	simm.s32 @!p0 $0x108  }
0x21: {  	s3 =	sadd.s32 s3, s9;
	s6 =	sadd.s32 @!p0 $0x88, s6;
	s7 =	simm.s32 @p2 $0x1082  }
0x22: {  	[simem:s7], [sflag:s8] =	dma.local @!p0 [hbm:s6], $0xF7A  }
0x23: {  	s9 =	sor.u32 $0xD0000000, s2;
	s6 =	simm.s32 $0x108;
	_ =	swait.ge @!p0 [sflag:s8], $0x0  }
0x24: {  	s3 =	sadd.s32 $0x88, s3;
	s6 =	simm.s32 @!p1 $0x1082;
	[sflag:s4] =	ssyncset.s32 $0xFFFFF086  }
0x25: {  	[simem:s6], [sflag:s4] =	dma.local [hbm:s3], $0xF7A  }
0x26: {  	[smem:$0x3F9F] =	sst s1;
	(tag) =	ssettag s2;
	_ =	strace s9  }
0x27: {  	s1 =	sld [smem:$0x3FAF]  }
0x28: {  	s2 =	sld [smem:$0x3FB0]  }
0x29: {  	s4 =	sld [smem:$0x3FB2]  }
0x2a: {  	p0 =	seq.s32 s5, $0x0;
	s5 =	sld [smem:$0x3FB3]  }
0x2b: {  	s6 =	sld [smem:$0x3FB4]  }
0x2c: {  	s7 =	sld [smem:$0x3FB5]  }
0x2d: {  	s3 =	simm.s32 $0x108;
	s8 =	sld [smem:$0x3FB6]  }
0x2e: {  	s3 =	simm.s32 @!p0 $0x1082;
	s9 =	sld [smem:$0x3FB7]  }
0x2f: {  	lr =	sadd.s32 s0, s3;
	s0 =	sld [smem:$0x3FAE]  }
0x30: {  	s3 =	sld [smem:$0x3FB1]  }
0x31: {  	[smem:$0x3FBA] =	sst s10  }
0x32: {  	s10 =	sld [smem:$0x3FB8];
	_ =	sdelay $0x3  }
0x33: {  	p0 =	seq.s32 s10, $0x1;
	s10 =	sld [smem:$0x3FBA];
	_ =	sdelay $0x3  }
0x34: {  	[smem:$0x3FBA] =	sst s10  }
0x35: {  	s10 =	sld [smem:$0x3FB9];
	_ =	sdelay $0x3  }
0x36: {  	p1 =	seq.s32 s10, $0x1;
	s10 =	sld [smem:$0x3FBA];
	_ =	sdelay $0x3  }
0x37: {  	[smem:$0x3FBA] =	sst s10  }
0x38: {  	s10 =	sld [smem:$0x3FBB]  }
0x39: {  	_ = 	snop;
	(pc) =	sbr.ind lr, $3  }
0x3a: {  	_ = 	snop  }
0x3b: {  	_ = 	snop  }
0x3c: {  	p2 =	seq.s32 s10, $0x1;
	s10 =	sld [smem:$0x3FBA]  }
0x3d: {  	_ =	shalt  }
0x3e: {  	_ =	shalt  }
0x3f: {  	_ =	shalt  }
0x40: {  	_ =	shalt  }
0x41: {  	_ =	shalt  }
0x42: {  	_ =	shalt  }
0x43: {  	_ =	shalt  }
0x44: {  	_ =	shalt  }
0x45: {  	_ =	shalt  }
0x46: {  	_ =	shalt  }
0x47: {  	_ =	shalt  }
0x48: {  	_ =	shalt  }
0x49: {  	_ =	shalt  }
0x4a: {  	_ =	shalt  }
0x4b: {  	_ =	shalt  }
0x4c: {  	_ =	shalt  }
0x4d: {  	_ =	shalt  }
0x4e: {  	_ =	shalt  }
0x4f: {  	_ =	shalt  }
0x50: {  	_ =	shalt  }
0x51: {  	_ =	shalt  }
0x52: {  	_ =	shalt  }
0x53: {  	_ =	shalt  }
0x54: {  	_ =	shalt  }
0x55: {  	_ =	shalt  }
0x56: {  	_ =	shalt  }
0x57: {  	_ =	shalt  }
0x58: {  	_ =	shalt  }
0x59: {  	_ =	shalt  }
0x5a: {  	_ =	shalt  }
0x5b: {  	_ =	shalt  }
0x5c: {  	_ =	shalt  }
0x5d: {  	_ =	shalt  }
0x5e: {  	_ =	shalt  }
0x5f: {  	_ =	shalt  }
0x60: {  	_ =	shalt  }
0x61: {  	_ =	shalt  }
0x62: {  	_ =	shalt  }
0x63: {  	_ =	shalt  }
0x64: {  	_ =	shalt  }
0x65: {  	_ =	shalt  }
0x66: {  	_ =	shalt  }
0x67: {  	_ =	shalt  }
0x68: {  	_ =	shalt  }
0x69: {  	_ =	shalt  }
0x6a: {  	_ =	shalt  }
0x6b: {  	_ =	shalt  }
0x6c: {  	_ =	shalt  }
0x6d: {  	_ =	shalt  }
0x6e: {  	_ =	shalt  }
0x6f: {  	_ =	shalt  }
0x70: {  	_ =	shalt  }
0x71: {  	_ =	shalt  }
0x72: {  	_ =	shalt  }
0x73: {  	_ =	shalt  }
0x74: {  	_ =	shalt  }
0x75: {  	_ =	shalt  }
0x76: {  	_ =	shalt  }
0x77: {  	_ =	shalt  }
0x78: {  	_ =	shalt  }
0x79: {  	_ =	shalt  }
0x7a: {  	_ =	shalt  }
0x7b: {  	_ =	shalt  }
0x7c: {  	_ =	shalt  }
0x7d: {  	_ =	shalt  }
0x7e: {  	_ =	shalt  }
0x7f: {  	_ =	shalt  }
0x80: {  	_ =	shalt  }
0x81: {  	_ =	shalt  }
0x82: {  	_ =	shalt  }
0x83: {  	_ =	shalt  }
0x84: {  	_ =	shalt  }
0x85: {  	_ =	shalt  }
0x86: {  	_ =	shalt  }
0x87: {  	_ =	shalt  }
.Lfunc_end0:
.L_simem_size_0:
called_computation_lowered:
.L_overlay_start_0:
0x88: {  	s2 =	sld [smem:$0x3FD9]  }
0x89: {  	s3 =	sld [smem:$0x3FFE];
	_ =	sdelay $0x1  }
0x8a: {  	s1 =	srdreg.scid  }
0x8b: {  	s0 =	sand.u32 $0x1, s1  }
0x8c: {  	s18 =	sshll.u32 s0, $0xA;
	s2 =	sadd.s32 s3, s2  }
0x8d: {  	s2 =	sadd.s32 s2, s18  }
0x8e: {  	[smem:$0x3FC6] =	sst s2  }
0x8f: {  	_ = 	snop  }
0x90: {  	s2 =	sld [smem:$0x3FC9]  }
0x91: {  	s19 =	sld [smem:$0x3FC8]  }
0x92: {  	s4 =	sld [smem:$0x3FD0];
	(tm) =	ssettm $0x1  }
0x93: {  	s5 =	sld [smem:$0x3FFB];
	_ =	sdelay $0x3  }
0x94: {  	_ =	strace s5  }
0x95: {  	s5 =	sld [smem:$0x3FFC];
	_ =	sdelay $0x3  }
0x96: {  	_ =	strace s5  }
0x97: {  	s5 =	sld [smem:$0x3FFD];
	_ =	sdelay $0x3  }
0x98: {  	_ =	strace s5  }
0x99: {  	_ =	strace $0x8FFFFFFF  }
0x9a: {  	s20 =	sld [smem:$0x3FDB];
	_ =	sdelay $0x1  }
0x9b: {  	s6 =	simm.s32 $_scs_section_size  }
0x9c: {  	s7 =	simm.s32 $_size__tile_overlayer_lowered;
	s8 =	simm.s32 $_tile_overlayer_lowered  }
0x9d: {  	s23 =	simm.s32 $0x1BFF;
	s22 =	sshll.u32 s8, $0x1;
	s5 =	sadd.s32 s6, s20  }
0x9e: {  	s9 =	simm.s32 $0x0;
	s21 =	sshll.u32 s7, $0x1;
	s7 =	sadd.s32 s22, s5  }
0x9f: {  	[timem:s9], [sflag:s23] =	dma.local [hbm:s7], s21  }
0xa0: {  	_ =	swait.ge [sflag:s23], s21  }
0xa1: {  	s6 =	ssub.s32 $0x0, s21;
	[sflag:s23] =	ssyncset.done $0x0  }
0xa2: {  	[sflag:s23] =	ssyncadd.s32 s6;
	_ =	sdelay $0x1  }
0xa3: {  	s24 =	simm.s32 $0x1B8B  }
0xa4: {  	_ =	swait.ge [sflag:s24], $0x1  }
0xa5: {  	[sflag:s24] =	ssyncset.done $0x0  }
0xa6: {  	s25 =	simm.s32 $0x1B8E;
	[sflag:s24] =	ssyncadd.s32 $0xFFFFFFFF  }
0xa7: {  	s26 =	simm.s32 $execute0_lowered;
	[smem:$0x3FD2] =	sst s25  }
0xa8: {  	s6 =	sshll.u32 s26, $0x1;
	_ =	strace $0x80000046;
	[dreg:$0x1] =	wrdreg $0xFFFFFFFF  }
0xa9: {  	s28 =	simm.s32 $_size_execute0_lowered;
	s5 =	sadd.s32 s5, s6;
	[dreg:$0x0] =	wrdreg $0x0  }
0xaa: {  	s6 =	sshll.u32 s28, $0x1;
	[dreg:$0x2] =	wrdreg s5  }
0xab: {  	[dreg:$0x3] =	wrdreg s6  }
0xac: {  	[dreg:$0x4] =	wrdreg $0xC0  }
0xad: {  	_ =	task [dreg:s9], $0x5FFFF  }
0xae: {  	[dreg:$0x1] =	wrdreg $0xFFFFFFFF  }
0xaf: {  	[dreg:$0x0] =	wrdreg $0x60  }
0xb0: {  	[dreg:$0x2] =	wrdreg s2  }
0xb1: {  	[dreg:$0x3] =	wrdreg s19  }
0xb2: {  	[dreg:$0x4] =	wrdreg s4  }
0xb3: {  	[dreg:$0x5] =	wrdreg $0x187000  }
0xb4: {  	[dreg:$0x6] =	wrdreg $0x9  }
0xb5: {  	_ =	task.clear_ibuf [dreg:s9], $0x7FFFF;
	_ =	strace $0x90000046  }
0xb6: {  	s29 =	simm.s32 $0x9;
	_ =	strace $0x80000048  }
0xb7: {  	_ =	swait.ge [sflag:s29], $0x1  }
0xb8: {  	[sflag:s29] =	ssyncadd.s32 $0xFFFFFFFF  }
0xb9: {  	_ =	strace $0x90000048  }
0xba: {  	_ =	sfence  }
0xbb: {  	s30 =	sld [smem:$0x0];
	_ =	sdelay $0x2  }
0xbc: {  	s31 =	sshll.u32 s1, $0xD;
	s1 =	sshrl.u32 s1, $0x2  }
0xbd: {  	s3 =	sand.u32 $0x4000, s31;
	s1 =	sadd.s32 s1, s30  }
0xbe: {  	s0 =	sor.u32 s3, s0;
	s1 =	sshll.u32 s1, $0x11  }
0xbf: {  	s0 =	sor.u32 s1, s0  }
0xc0: {  	s0 =	sadd.s32 $0x8F2B, s0  }
0xc1: {  	[sflag:s0] =	ssyncadd.remote.s32 $0x1  }
0xc2: {  	_ =	sfence.sel $0xFFFF  }
0xc3: {  	[dreg:$0x0] =	wrdreg $0xFFFFFFFF;
	(pc) =	sbr.abs _section_cstart, $3  }
0xc4: {  	[dreg:$0x1] =	wrdreg $0xFFFFFFFF  }
0xc5: {  	_ =	task.clear_ibuf [dreg:s9], $0x2FFFF;
	_ =	strace $0x9FFFFFFF  }
0xc6: {  	(tm) =	ssettm $0x7FFFFFFF  }
0xc7: {  	_ =	shalt  }
tec
execute0_lowered:
.L_overlay_start_1:
0x0: {  	(tag) =	ssettag $0x1  }
0x1: {  	s0 =	rddreg [dreg:$0x0]  }
0x2: {  	s1 =	rddreg [dreg:$0x2]  }
0x3: {  	s18 =	rddreg [dreg:$0x3];
	s3 =	simm.s32 $0x0;
	s2 =	srdreg.scid  }
0x4: {  	s4 =	stileid.u32;
	s15 =	simm.s32 $0x400;
	s16 =	simm.s32 $0x8000  }
0x5: {  	s17 =	simm.s32 $0x19F70;
	s20 =	simm.s32 $0x5;
	s21 =	simm.s32 $0x1  }
0x6: {  	s22 =	simm.s32 $0x1C770;
	s23 =	simm.s32 $0x2;
	s25 =	simm.s32 $0x3  }
0x7: {  	s26 =	simm.s32 $0x4;
	s28 =	simm.s32 $0x0;
	[smem:$0x7FF] =	sst s3  }
0x8: {  	s2 =	sand.u32 $0x1, s2;
	s6 =	sshll.u32 s4, $0x8;
	p0 =	sne.s32 s4, $0x0  }
0x9: {  	s5 =	ssub.s32 $0x2, s2;
	s2 =	sshll.u32 s2, $0x7;
	_ =	strace $0x80000047  }
0xa: {  	s18 =	sshrl.u32 @!p0 s18, $0x3;
	s7 =	sshrl.u32 s5, $0x1;
	s2 =	sor.u32 s2, s6  }
0xb: {  	s5 =	ssub.s32 s5, s7;
	s6 =	sadd.s32 s0, s2;
	s8 =	sor.u32 $0x5000, s2  }
0xc: {  	s10 =	sor.u32 $0xA000, s2;
	s12 =	sor.u32 $0xF000, s2;
	[dreg:$0x5] =	wrdreg s6  }
0xd: {  	s31 =	sadd.s32 s0, s8;
	s6 =	sadd.s32 s1, s2;
	s7 =	sadd.s32 s0, s10  }
0xe: {  	s8 =	sadd.s32 s1, s8;
	s9 =	sadd.s32 s0, s12;
	s10 =	sadd.s32 s1, s10  }
0xf: {  	s2 =	sor.u32 $0x14000, s2;
	s12 =	sadd.s32 s1, s12;
	s14 =	smax.u32 s5, $0x1  }
0x10: {  	[dreg:$0x6] =	wrdreg s31;
	s11 =	sadd.s32 s0, s2;
	s13 =	sadd.s32 s1, s2  }
.LBB2_1:
0x11: {  	s0 =	rddreg [dreg:$0x5]  }
0x12: {  	[tilespmem:s17], [sflag:$0x1] =	stream.strided.gather [hbm4b:s0+s15], $0x1400, s16, s15, $0x38;
	[tilespmem:$0x1EF70] =	vst v63  }
0x13: {  	s1 =	rddreg [dreg:$0x1];
	s0 =	simm.s32 @!p0 $0x1C05  }
0x14: {  	[spmem:s18], [sflag:s0] =	dma.local @!p0 [hbm:s1], $0x30E0  }
0x15: {  	s0 =	simm.s32 @!p0 $0x5  }
0x16: {  	_ =	swait.ge @!p0 [sflag:s0], $0x30E0  }
0x17: {  	[sflag:s0] =	ssyncset.done @!p0 $0x0  }
0x18: {  	s19 =	simm.s32 $0x1B370;
	s5 =	rddreg [dreg:$0x6];
	[sflag:s0] =	ssyncadd.s32 @!p0 $0xFFFFCF20  }
0x19: {  	[tilespmem:s19], [sflag:$0x2] =	stream.strided.gather [hbm4b:s5+s15], $0x1400, s16, s15, $0x38;
	[tilespmem:$0x1EF70] =	vst v63  }
0x1a: {  	[bflag:$0x0] =	sbarrier.arrive $0xFFFF  }
0x1b: {  	s24 =	rddreg [dreg:$0x3]  }
0x1c: {  	[tilespmem:s3], [sflag:$0x5] =	stream.linear.gather [spmem:s24], $0x18700, $0x38;
	[tilespmem:$0x1EF70] =	vst v63  }
0x1d: {  	_ =	swait.ge [sflag:s20], $0x18700  }
0x1e: {  	[sflag:s20] =	ssyncset.done $0x0  }
0x1f: {  	[sflag:s20] =	ssyncadd.s32 $0xFFFE7900  }
0x20: {  	_ =	swait.ge [sflag:s21], $0x1400  }
0x21: {  	[sflag:s21] =	ssyncset.done $0x0  }
0x22: {  	s4 =	simm.s32 $0x19FF0;
	[sflag:s21] =	ssyncadd.s32 $0xFFFFEC00  }
0x23: {  	v0 =	vld [tilespmem:s4+$0x0];
	_ =	sdelay $0x1  }
0x24: {  	v1 =	vld [tilespmem:s4+$0xFFFFFF80];
	_ =	sdelay $0x5  }
0x25: {  	v0 =	vld.idx.msk [tilespmem:v0+s3+$0x0], $0xffff;
	_ =	sdelay $0x1  }
0x26: {  	v1 =	vld.idx.msk [tilespmem:v1+s3+$0x0], $0xffff;
	_ =	sdelay $0x1  }
0x27: {  	s29 =	simm.s32 $0x1C7F0  }
0x28: {  	[tilespmem:s29+$0x0] =	vst v0  }
0x29: {  	v0 =	vld [tilespmem:s4+$0x10]  }
0x2a: {  	[tilespmem:s29+$0xFFFFFF80] =	vst v1  }
0x2b: {  	v1 =	vld [tilespmem:s4+$0xFFFFFF90];
	_ =	sdelay $0x3  }
0x2c: {  	s31 =	simm.s32 $0x1A0F0  }
0x2d: {  	v2 =	vld [tilespmem:s31+$0x0]  }
0x2e: {  	v0 =	vld.idx.msk [tilespmem:v0+s3+$0x0], $0xffff;
	_ =	sdelay $0x1  }
0x2f: {  	v1 =	vld.idx.msk [tilespmem:v1+s3+$0x0], $0xffff;
	_ =	sdelay $0x2  }
0x30: {  	[tilespmem:s29+$0x10] =	vst v0  }
0x31: {  	v0 =	vld [tilespmem:s4+$0x20]  }
0x32: {  	[tilespmem:s29+$0xFFFFFF90] =	vst v1;
	v1 =	vld.idx.msk [tilespmem:v2+s3+$0x0], $0xffff  }
0x33: {  	v3 =	vld [tilespmem:s31+$0xFFFFFF80];
	_ =	sdelay $0x1  }
0x34: {  	v2 =	vld [tilespmem:s4+$0xFFFFFFA0]  }
0x35: {  	s30 =	simm.s32 $0x1C8F0  }
0x36: {  	[tilespmem:s30+$0x0] =	vst v1  }
0x37: {  	v1 =	vld [tilespmem:s31+$0x10]  }
0x38: {  	v0 =	vld.idx.msk [tilespmem:v0+s3+$0x0], $0xffff;
	_ =	sdelay $0x1  }
0x39: {  	v3 =	vld.idx.msk [tilespmem:v3+s3+$0x0], $0xffff;
	_ =	sdelay $0x1  }
0x3a: {  	v2 =	vld.idx.msk [tilespmem:v2+s3+$0x0], $0xffff  }
0x3b: {  	[tilespmem:s29+$0x20] =	vst v0  }
0x3c: {  	v0 =	vld [tilespmem:s4+$0x30]  }
0x3d: {  	[tilespmem:s30+$0xFFFFFF80] =	vst v3;
	v1 =	vld.idx.msk [tilespmem:v1+s3+$0x0], $0xffff  }
0x3e: {  	v3 =	vld [tilespmem:s31+$0xFFFFFF90]  }
0x3f: {  	[tilespmem:s29+$0xFFFFFFA0] =	vst v2  }
0x40: {  	v2 =	vld [tilespmem:s4+$0xFFFFFFB0];
	_ =	sdelay $0x1  }
0x41: {  	[tilespmem:s30+$0x10] =	vst v1  }
0x42: {  	v1 =	vld [tilespmem:s31+$0x20]  }
0x43: {  	s0 =	simm.s32 $0x1A1F0;
	v0 =	vld.idx.msk [tilespmem:v0+s3+$0x0], $0xffff  }
0x44: {  	v4 =	vld [tilespmem:s0+$0x0]  }
0x45: {  	v3 =	vld.idx.msk [tilespmem:v3+s3+$0x0], $0xffff  }
0x46: {  	v5 =	vld [tilespmem:s0+$0xFFFFFF80]  }
0x47: {  	v2 =	vld.idx.msk [tilespmem:v2+s3+$0x0], $0xffff  }
0x48: {  	[tilespmem:s29+$0x30] =	vst v0  }
0x49: {  	v0 =	vld [tilespmem:s4+$0x40]  }
0x4a: {  	[tilespmem:s30+$0xFFFFFF90] =	vst v3;
	v1 =	vld.idx.msk [tilespmem:v1+s3+$0x0], $0xffff  }
0x4b: {  	v3 =	vld [tilespmem:s31+$0xFFFFFFA0]  }
0x4c: {  	v4 =	vld.idx.msk [tilespmem:v4+s3+$0x0], $0xffff;
	[tilespmem:s29+$0xFFFFFFB0] =	vst v2  }
0x4d: {  	v2 =	vld [tilespmem:s4+$0xFFFFFFC0]  }
0x4e: {  	s2 =	simm.s32 $0x1A2F0;
	v5 =	vld.idx.msk [tilespmem:v5+s3+$0x0], $0xffff  }
0x4f: {  	v6 =	vld [tilespmem:s2+$0x0];
	[tilespmem:s30+$0x20] =	vst v1  }
0x50: {  	s1 =	simm.s32 $0x1C9F0;
	v1 =	vld [tilespmem:s31+$0x30]  }
0x51: {  	[tilespmem:s1+$0x0] =	vst v4;
	v0 =	vld.idx.msk [tilespmem:v0+s3+$0x0], $0xffff  }
0x52: {  	v4 =	vld [tilespmem:s0+$0x10]  }
0x53: {  	[tilespmem:s1+$0xFFFFFF80] =	vst v5;
	v3 =	vld.idx.msk [tilespmem:v3+s3+$0x0], $0xffff  }
0x54: {  	v5 =	vld [tilespmem:s0+$0xFFFFFF90]  }
0x55: {  	v2 =	vld.idx.msk [tilespmem:v2+s3+$0x0], $0xffff  }
0x56: {  	v7 =	vld [tilespmem:s2+$0xFFFFFF80];
	[tilespmem:s29+$0x40] =	vst v0  }
0x57: {  	v0 =	vld [tilespmem:s4+$0x50]  }
0x58: {  	[tilespmem:s30+$0xFFFFFFA0] =	vst v3;
	v1 =	vld.idx.msk [tilespmem:v1+s3+$0x0], $0xffff  }
0x59: {  	v3 =	vld [tilespmem:s31+$0xFFFFFFB0]  }
0x5a: {  	v4 =	vld.idx.msk [tilespmem:v4+s3+$0x0], $0xffff;
	[tilespmem:s29+$0xFFFFFFC0] =	vst v2  }
0x5b: {  	v2 =	vld [tilespmem:s4+$0xFFFFFFD0]  }
0x5c: {  	v5 =	vld.idx.msk [tilespmem:v5+s3+$0x0], $0xffff  }
0x5d: {  	v6 =	vld.idx.msk [tilespmem:v6+s3+$0x0], $0xffff;
	[tilespmem:s30+$0x30] =	vst v1  }
0x5e: {  	v1 =	vld [tilespmem:s31+$0x40]  }
0x5f: {  	[tilespmem:s1+$0x10] =	vst v4;
	v0 =	vld.idx.msk [tilespmem:v0+s3+$0x0], $0xffff  }
0x60: {  	v4 =	vld [tilespmem:s0+$0x20]  }
0x61: {  	[tilespmem:s1+$0xFFFFFF90] =	vst v5;
	v3 =	vld.idx.msk [tilespmem:v3+s3+$0x0], $0xffff  }
0x62: {  	v5 =	vld [tilespmem:s0+$0xFFFFFFA0]  }
0x63: {  	v2 =	vld.idx.msk [tilespmem:v2+s3+$0x0], $0xffff  }
0x64: {  	v7 =	vld.idx.msk [tilespmem:v7+s3+$0x0], $0xffff;
	[tilespmem:s29+$0x50] =	vst v0  }
0x65: {  	v0 =	vld [tilespmem:s4+$0x60]  }
0x66: {  	s19 =	simm.s32 $0x1CAF0;
	[tilespmem:s30+$0xFFFFFFB0] =	vst v3;
	v1 =	vld.idx.msk [tilespmem:v1+s3+$0x0], $0xffff  }
0x67: {  	[tilespmem:s19+$0x0] =	vst v6;
	v3 =	vld [tilespmem:s31+$0xFFFFFFC0]  }
0x68: {  	[tilespmem:s29+$0xFFFFFFD0] =	vst v2;
	v2 =	vld.idx.msk [tilespmem:v4+s3+$0x0], $0xffff  }
0x69: {  	v6 =	vld [tilespmem:s2+$0x10]  }
0x6a: {  	v4 =	vld [tilespmem:s4+$0xFFFFFFE0]  }
0x6b: {  	v5 =	vld.idx.msk [tilespmem:v5+s3+$0x0], $0xffff;
	[tilespmem:s30+$0x40] =	vst v1  }
0x6c: {  	v1 =	vld [tilespmem:s31+$0x50]  }
0x6d: {  	[tilespmem:s1+$0x20] =	vst v2;
	v0 =	vld.idx.msk [tilespmem:v0+s3+$0x0], $0xffff  }
0x6e: {  	v2 =	vld [tilespmem:s0+$0x30]  }
0x6f: {  	[tilespmem:s19+$0xFFFFFF80] =	vst v7;
	v3 =	vld.idx.msk [tilespmem:v3+s3+$0x0], $0xffff  }
0x70: {  	v8 =	vld [tilespmem:s2+$0xFFFFFF90];
	[tilespmem:s1+$0xFFFFFFA0] =	vst v5  }
0x71: {  	v9 =	vld [tilespmem:s0+$0xFFFFFFB0]  }
0x72: {  	v4 =	vld.idx.msk [tilespmem:v4+s3+$0x0], $0xffff;
	[tilespmem:s29+$0x60] =	vst v0  }
0x73: {  	v0 =	vld [tilespmem:s4+$0x70]  }
0x74: {  	[tilespmem:s30+$0xFFFFFFC0] =	vst v3;
	v1 =	vld.idx.msk [tilespmem:v1+s3+$0x0], $0xffff  }
0x75: {  	v10 =	vld [tilespmem:s31+$0xFFFFFFD0]  }
0x76: {  	v2 =	vld.idx.msk [tilespmem:v2+s3+$0x0], $0xffff  }
0x77: {  	[tilespmem:s29+$0xFFFFFFE0] =	vst v4;
	v4 =	vld.idx.msk [tilespmem:v6+s3+$0x0], $0xffff;
	_ =	sdelay $0x1  }
0x78: {  	v5 =	vld.idx.msk [tilespmem:v8+s3+$0x0], $0xffff;
	[tilespmem:s30+$0x50] =	vst v1  }
0x79: {  	v1 =	vld [tilespmem:s31+$0x60]  }
0x7a: {  	[tilespmem:s1+$0x30] =	vst v2;
	v7 =	vld.idx.msk [tilespmem:v0+s3+$0x0], $0xffff  }
0x7b: {  	[tilespmem:s19+$0x10] =	vst v4;
	v4 =	vld.idx.msk [tilespmem:v9+s3+$0x0], $0xffff  }
0x7c: {  	v3 =	vld [tilespmem:s0+$0x40]  }
0x7d: {  	v2 =	vld.idx.msk [tilespmem:v10+s3+$0x0], $0xffff  }
0x7e: {  	v6 =	vld [tilespmem:s2+$0x20]  }
0x7f: {  	s24 =	simm.s32 $0x1A3F0;
	v0 =	vld [tilespmem:s4+$0xFFFFFFF0];
	s4 =	simm.s32 $0x6;
	[tilespmem:s29+$0x70] =	vst v7  }
.LBB2_2:
0x80: {  	v7 =	vld [tilespmem:s24+$0x0];
	s4 =	sadd.s32 $0x2, s4;
	s5 =	smov.u32 s1;
	s1 =	smov.u32 s19  }
0x81: {  	v8 =	vld [tilespmem:s24+$0xFFFFFF80];
	p1 =	slt.u32 s4, $0x26;
	[tilespmem:s19+$0xFFFFFF90] =	vst v5  }
0x82: {  	v1 =	vld.idx.msk [tilespmem:v1+s3+$0x0], $0xffff  }
0x83: {  	v5 =	vld [tilespmem:s2+$0xFFFFFFA0];
	[tilespmem:s5+$0xFFFFFFB0] =	vst v4  }
0x84: {  	v3 =	vld.idx.msk [tilespmem:v3+s3+$0x0], $0xffff  }
0x85: {  	v4 =	vld [tilespmem:s0+$0xFFFFFFC0];
	[tilespmem:s30+$0xFFFFFFD0] =	vst v2  }
0x86: {  	v2 =	vld.idx.msk [tilespmem:v6+s3+$0x0], $0xffff  }
0x87: {  	v6 =	vld [tilespmem:s31+$0xFFFFFFE0]  }
0x88: {  	v7 =	vld.idx.msk [tilespmem:v7+s3+$0x0], $0xffff;
	[tilespmem:s30+$0x60] =	vst v1  }
0x89: {  	v1 =	vld [tilespmem:s31+$0x70]  }
0x8a: {  	v8 =	vld.idx.msk [tilespmem:v8+s3+$0x0], $0xffff;
	[tilespmem:s5+$0x40] =	vst v3  }
0x8b: {  	v3 =	vld [tilespmem:s0+$0x50]  }
0x8c: {  	v5 =	vld.idx.msk [tilespmem:v5+s3+$0x0], $0xffff;
	[tilespmem:s19+$0x20] =	vst v2  }
0x8d: {  	s19 =	sadd.s32 $0x100, s19;
	v2 =	vld [tilespmem:s2+$0x30]  }
0x8e: {  	[tilespmem:s19+$0x0] =	vst v7;
	v4 =	vld.idx.msk [tilespmem:v4+s3+$0x0], $0xffff  }
0x8f: {  	v7 =	vld [tilespmem:s24+$0x10]  }
0x90: {  	[tilespmem:s19+$0xFFFFFF80] =	vst v8;
	v6 =	vld.idx.msk [tilespmem:v6+s3+$0x0], $0xffff  }
0x91: {  	v1 =	vld.idx.msk [tilespmem:v1+s3+$0x0], $0xffff  }
0x92: {  	v8 =	vld [tilespmem:s24+$0xFFFFFF90];
	[tilespmem:s1+$0xFFFFFFA0] =	vst v5  }
0x93: {  	v3 =	vld.idx.msk [tilespmem:v3+s3+$0x0], $0xffff  }
0x94: {  	v9 =	vld [tilespmem:s2+$0xFFFFFFB0];
	[tilespmem:s5+$0xFFFFFFC0] =	vst v4  }
0x95: {  	v2 =	vld.idx.msk [tilespmem:v2+s3+$0x0], $0xffff  }
0x96: {  	v10 =	vld [tilespmem:s0+$0xFFFFFFD0];
	[tilespmem:s30+$0xFFFFFFE0] =	vst v6  }
0x97: {  	v4 =	vld.idx.msk [tilespmem:v7+s3+$0x0], $0xffff;
	[tilespmem:s30+$0x70] =	vst v1  }
0x98: {  	v6 =	vld [tilespmem:s31+$0xFFFFFFF0];
	s31 =	smov.u32 s0;
	s0 =	smov.u32 s2;
	s2 =	smov.u32 s24  }
0x99: {  	[tilespmem:s5+$0x50] =	vst v3;
	v7 =	vld.idx.msk [tilespmem:v0+s3+$0x0], $0xffff  }
0x9a: {  	v1 =	vld [tilespmem:s31+$0x60]  }
.Ltmp0:
0x9b: {  	v5 =	vld.idx.msk [tilespmem:v8+s3+$0x0], $0xffff;
	[tilespmem:s1+$0x30] =	vst v2;
	(pc) =	sbr.rel @p1 .LBB2_2-.Ltmp0, $4  }
0x9c: {  	v3 =	vld [tilespmem:s0+$0x40]  }
0x9d: {  	[tilespmem:s19+$0x10] =	vst v4;
	v4 =	vld.idx.msk [tilespmem:v9+s3+$0x0], $0xffff;
	v0 =	vmov v6  }
0x9e: {  	v6 =	vld [tilespmem:s24+$0x20]  }
0x9f: {  	s24 =	sadd.s32 $0x100, s24;
	v2 =	vld.idx.msk [tilespmem:v10+s3+$0x0], $0xffff;
	[tilespmem:s29+$0xFFFFFFF0] =	vst v7;
	s29 =	smov.u32 s30;
	s30 =	smov.u32 s5  }
0xa0: {  	[tilespmem:s19+$0xFFFFFF90] =	vst v5  }
0xa1: {  	v5 =	vld [tilespmem:s2+$0xFFFFFFA0];
	_ =	sdelay $0x6  }
0xa2: {  	v6 =	vld.idx.msk [tilespmem:v6+s3+$0x0], $0xffff  }
0xa3: {  	v5 =	vld.idx.msk [tilespmem:v5+s3+$0x0], $0xffff;
	_ =	sdelay $0x3  }
0xa4: {  	[tilespmem:s19+$0x20] =	vst v6  }
0xa5: {  	v6 =	vld [tilespmem:s2+$0x30];
	[tilespmem:s19+$0xFFFFFFA0] =	vst v5  }
0xa6: {  	v5 =	vld [tilespmem:s2+$0xFFFFFFB0];
	_ =	sdelay $0x6  }
0xa7: {  	v6 =	vld.idx.msk [tilespmem:v6+s3+$0x0], $0xffff  }
0xa8: {  	v5 =	vld.idx.msk [tilespmem:v5+s3+$0x0], $0xffff;
	_ =	sdelay $0x2  }
0xa9: {  	[tilespmem:s1+$0xFFFFFFB0] =	vst v4  }
0xaa: {  	[tilespmem:s19+$0x30] =	vst v6;
	v6 =	vld [tilespmem:s0+$0xFFFFFFC0]  }
0xab: {  	v4 =	vld [tilespmem:s2+$0x40];
	[tilespmem:s19+$0xFFFFFFB0] =	vst v5  }
0xac: {  	v5 =	vld [tilespmem:s2+$0xFFFFFFC0];
	_ =	sdelay $0x4  }
0xad: {  	v3 =	vld.idx.msk [tilespmem:v3+s3+$0x0], $0xffff  }
0xae: {  	v6 =	vld.idx.msk [tilespmem:v6+s3+$0x0], $0xffff  }
0xaf: {  	v4 =	vld.idx.msk [tilespmem:v4+s3+$0x0], $0xffff  }
0xb0: {  	v5 =	vld.idx.msk [tilespmem:v5+s3+$0x0], $0xffff;
	_ =	sdelay $0x1  }
0xb1: {  	[tilespmem:s1+$0x40] =	vst v3  }
0xb2: {  	v3 =	vld [tilespmem:s0+$0x50];
	[tilespmem:s1+$0xFFFFFFC0] =	vst v6  }
0xb3: {  	[tilespmem:s19+$0x40] =	vst v4;
	v6 =	vld [tilespmem:s0+$0xFFFFFFD0]  }
0xb4: {  	v4 =	vld [tilespmem:s2+$0x50];
	[tilespmem:s19+$0xFFFFFFC0] =	vst v5  }
0xb5: {  	v5 =	vld [tilespmem:s2+$0xFFFFFFD0];
	_ =	sdelay $0x4  }
0xb6: {  	v3 =	vld.idx.msk [tilespmem:v3+s3+$0x0], $0xffff  }
0xb7: {  	v6 =	vld.idx.msk [tilespmem:v6+s3+$0x0], $0xffff  }
0xb8: {  	v4 =	vld.idx.msk [tilespmem:v4+s3+$0x0], $0xffff  }
0xb9: {  	v5 =	vld.idx.msk [tilespmem:v5+s3+$0x0], $0xffff  }
0xba: {  	v1 =	vld.idx.msk [tilespmem:v1+s3+$0x0], $0xffff;
	[tilespmem:s30+$0xFFFFFFD0] =	vst v2  }
0xbb: {  	[tilespmem:s1+$0x50] =	vst v3;
	v3 =	vld [tilespmem:s31+$0xFFFFFFE0]  }
0xbc: {  	v2 =	vld [tilespmem:s0+$0x60];
	[tilespmem:s1+$0xFFFFFFD0] =	vst v6  }
0xbd: {  	[tilespmem:s19+$0x50] =	vst v4;
	v6 =	vld [tilespmem:s0+$0xFFFFFFE0]  }
0xbe: {  	v4 =	vld [tilespmem:s2+$0x60];
	[tilespmem:s19+$0xFFFFFFD0] =	vst v5  }
0xbf: {  	v5 =	vld [tilespmem:s2+$0xFFFFFFE0];
	_ =	sdelay $0x1  }
0xc0: {  	[tilespmem:s30+$0x60] =	vst v1  }
0xc1: {  	v1 =	vld [tilespmem:s31+$0x70]  }
0xc2: {  	v3 =	vld.idx.msk [tilespmem:v3+s3+$0x0], $0xffff  }
0xc3: {  	v2 =	vld.idx.msk [tilespmem:v2+s3+$0x0], $0xffff  }
0xc4: {  	v6 =	vld.idx.msk [tilespmem:v6+s3+$0x0], $0xffff  }
0xc5: {  	v4 =	vld.idx.msk [tilespmem:v4+s3+$0x0], $0xffff  }
0xc6: {  	v5 =	vld.idx.msk [tilespmem:v5+s3+$0x0], $0xffff  }
0xc7: {  	[tilespmem:s30+$0xFFFFFFE0] =	vst v3  }
0xc8: {  	[tilespmem:s1+$0x60] =	vst v2;
	v3 =	vld [tilespmem:s31+$0xFFFFFFF0]  }
0xc9: {  	v2 =	vld [tilespmem:s0+$0x70];
	[tilespmem:s1+$0xFFFFFFE0] =	vst v6  }
0xca: {  	[tilespmem:s19+$0x60] =	vst v4;
	v6 =	vld [tilespmem:s0+$0xFFFFFFF0]  }
0xcb: {  	v4 =	vld [tilespmem:s2+$0x70];
	[tilespmem:s19+$0xFFFFFFE0] =	vst v5  }
0xcc: {  	v5 =	vld [tilespmem:s2+$0xFFFFFFF0]  }
0xcd: {  	v1 =	vld.idx.msk [tilespmem:v1+s3+$0x0], $0xffff;
	_ =	sdelay $0x1  }
0xce: {  	v0 =	vld.idx.msk [tilespmem:v0+s3+$0x0], $0xffff  }
0xcf: {  	v3 =	vld.idx.msk [tilespmem:v3+s3+$0x0], $0xffff  }
0xd0: {  	v2 =	vld.idx.msk [tilespmem:v2+s3+$0x0], $0xffff  }
0xd1: {  	[tilespmem:s30+$0x70] =	vst v1;
	v1 =	vld.idx.msk [tilespmem:v6+s3+$0x0], $0xffff  }
0xd2: {  	v4 =	vld.idx.msk [tilespmem:v4+s3+$0x0], $0xffff  }
0xd3: {  	[tilespmem:s29+$0xFFFFFFF0] =	vst v0;
	v0 =	vld.idx.msk [tilespmem:v5+s3+$0x0], $0xffff  }
0xd4: {  	[tilespmem:s30+$0xFFFFFFF0] =	vst v3  }
0xd5: {  	[tilespmem:s1+$0x70] =	vst v2  }
0xd6: {  	[tilespmem:s1+$0xFFFFFFF0] =	vst v1  }
0xd7: {  	[tilespmem:s19+$0x70] =	vst v4  }
0xd8: {  	[tilespmem:s19+$0xFFFFFFF0] =	vst v0  }
0xd9: {  	[hbm4b:s6+s15] =	stream.strided.scatter [tilespmem:s22], [sflag:$0x3], $0x1400, s16, s15, $0x38;
	[tilespmem:$0x1EF70] =	vst v63  }
0xda: {  	_ = 	snop  }
0xdb: {  	[tilespmem:s17], [sflag:$0x1] =	stream.strided.gather [hbm4b:s7+s15], $0x1400, s16, s15, $0x38;
	[tilespmem:$0x1EF70] =	vst v63  }
0xdc: {  	_ =	swait.ge [sflag:s23], $0x1400  }
0xdd: {  	[sflag:s23] =	ssyncset.done $0x0  }
0xde: {  	s4 =	simm.s32 $0x1B3F0;
	[sflag:s23] =	ssyncadd.s32 $0xFFFFEC00  }
0xdf: {  	v0 =	vld [tilespmem:s4+$0x0];
	_ =	sdelay $0x1  }
0xe0: {  	v1 =	vld [tilespmem:s4+$0xFFFFFF80];
	_ =	sdelay $0x5  }
0xe1: {  	v0 =	vld.idx.msk [tilespmem:v0+s3+$0x0], $0xffff;
	_ =	sdelay $0x1  }
0xe2: {  	v1 =	vld.idx.msk [tilespmem:v1+s3+$0x0], $0xffff;
	_ =	sdelay $0x1  }
0xe3: {  	s29 =	simm.s32 $0x1DBF0  }
0xe4: {  	[tilespmem:s29+$0x0] =	vst v0  }
0xe5: {  	v0 =	vld [tilespmem:s4+$0x10]  }
0xe6: {  	[tilespmem:s29+$0xFFFFFF80] =	vst v1  }
0xe7: {  	v1 =	vld [tilespmem:s4+$0xFFFFFF90];
	_ =	sdelay $0x3  }
0xe8: {  	s31 =	simm.s32 $0x1B4F0  }
0xe9: {  	v2 =	vld [tilespmem:s31+$0x0]  }
0xea: {  	v0 =	vld.idx.msk [tilespmem:v0+s3+$0x0], $0xffff;
	_ =	sdelay $0x1  }
0xeb: {  	v1 =	vld.idx.msk [tilespmem:v1+s3+$0x0], $0xffff;
	_ =	sdelay $0x2  }
0xec: {  	[tilespmem:s29+$0x10] =	vst v0  }
0xed: {  	v0 =	vld [tilespmem:s4+$0x20]  }
0xee: {  	[tilespmem:s29+$0xFFFFFF90] =	vst v1;
	v1 =	vld.idx.msk [tilespmem:v2+s3+$0x0], $0xffff  }
0xef: {  	v3 =	vld [tilespmem:s31+$0xFFFFFF80];
	_ =	sdelay $0x1  }
0xf0: {  	v2 =	vld [tilespmem:s4+$0xFFFFFFA0]  }
0xf1: {  	s30 =	simm.s32 $0x1DCF0  }
0xf2: {  	[tilespmem:s30+$0x0] =	vst v1  }
0xf3: {  	v1 =	vld [tilespmem:s31+$0x10]  }
0xf4: {  	v0 =	vld.idx.msk [tilespmem:v0+s3+$0x0], $0xffff;
	_ =	sdelay $0x1  }
0xf5: {  	v3 =	vld.idx.msk [tilespmem:v3+s3+$0x0], $0xffff;
	_ =	sdelay $0x1  }
0xf6: {  	v2 =	vld.idx.msk [tilespmem:v2+s3+$0x0], $0xffff  }
0xf7: {  	[tilespmem:s29+$0x20] =	vst v0  }
0xf8: {  	v0 =	vld [tilespmem:s4+$0x30]  }
0xf9: {  	[tilespmem:s30+$0xFFFFFF80] =	vst v3;
	v1 =	vld.idx.msk [tilespmem:v1+s3+$0x0], $0xffff  }
0xfa: {  	v3 =	vld [tilespmem:s31+$0xFFFFFF90]  }
0xfb: {  	[tilespmem:s29+$0xFFFFFFA0] =	vst v2  }
0xfc: {  	v2 =	vld [tilespmem:s4+$0xFFFFFFB0];
	_ =	sdelay $0x1  }
0xfd: {  	[tilespmem:s30+$0x10] =	vst v1  }
0xfe: {  	v1 =	vld [tilespmem:s31+$0x20]  }
0xff: {  	s0 =	simm.s32 $0x1B5F0;
	v0 =	vld.idx.msk [tilespmem:v0+s3+$0x0], $0xffff  }
0x100: {  	v4 =	vld [tilespmem:s0+$0x0]  }
0x101: {  	v3 =	vld.idx.msk [tilespmem:v3+s3+$0x0], $0xffff  }
0x102: {  	v5 =	vld [tilespmem:s0+$0xFFFFFF80]  }
0x103: {  	v2 =	vld.idx.msk [tilespmem:v2+s3+$0x0], $0xffff  }
0x104: {  	[tilespmem:s29+$0x30] =	vst v0  }
0x105: {  	v0 =	vld [tilespmem:s4+$0x40]  }
0x106: {  	[tilespmem:s30+$0xFFFFFF90] =	vst v3;
	v1 =	vld.idx.msk [tilespmem:v1+s3+$0x0], $0xffff  }
0x107: {  	v3 =	vld [tilespmem:s31+$0xFFFFFFA0]  }
0x108: {  	v4 =	vld.idx.msk [tilespmem:v4+s3+$0x0], $0xffff;
	[tilespmem:s29+$0xFFFFFFB0] =	vst v2  }
0x109: {  	v2 =	vld [tilespmem:s4+$0xFFFFFFC0]  }
0x10a: {  	s2 =	simm.s32 $0x1B6F0;
	v5 =	vld.idx.msk [tilespmem:v5+s3+$0x0], $0xffff  }
0x10b: {  	v6 =	vld [tilespmem:s2+$0x0];
	[tilespmem:s30+$0x20] =	vst v1  }
0x10c: {  	s1 =	simm.s32 $0x1DDF0;
	v1 =	vld [tilespmem:s31+$0x30]  }
0x10d: {  	[tilespmem:s1+$0x0] =	vst v4;
	v0 =	vld.idx.msk [tilespmem:v0+s3+$0x0], $0xffff  }
0x10e: {  	v4 =	vld [tilespmem:s0+$0x10]  }
0x10f: {  	[tilespmem:s1+$0xFFFFFF80] =	vst v5;
	v3 =	vld.idx.msk [tilespmem:v3+s3+$0x0], $0xffff  }
0x110: {  	v5 =	vld [tilespmem:s0+$0xFFFFFF90]  }
0x111: {  	v2 =	vld.idx.msk [tilespmem:v2+s3+$0x0], $0xffff  }
0x112: {  	v7 =	vld [tilespmem:s2+$0xFFFFFF80];
	[tilespmem:s29+$0x40] =	vst v0  }
0x113: {  	v0 =	vld [tilespmem:s4+$0x50]  }
0x114: {  	[tilespmem:s30+$0xFFFFFFA0] =	vst v3;
	v1 =	vld.idx.msk [tilespmem:v1+s3+$0x0], $0xffff  }
0x115: {  	v3 =	vld [tilespmem:s31+$0xFFFFFFB0]  }
0x116: {  	v4 =	vld.idx.msk [tilespmem:v4+s3+$0x0], $0xffff;
	[tilespmem:s29+$0xFFFFFFC0] =	vst v2  }
0x117: {  	v2 =	vld [tilespmem:s4+$0xFFFFFFD0]  }
0x118: {  	v5 =	vld.idx.msk [tilespmem:v5+s3+$0x0], $0xffff  }
0x119: {  	v6 =	vld.idx.msk [tilespmem:v6+s3+$0x0], $0xffff;
	[tilespmem:s30+$0x30] =	vst v1  }
0x11a: {  	v1 =	vld [tilespmem:s31+$0x40]  }
0x11b: {  	[tilespmem:s1+$0x10] =	vst v4;
	v0 =	vld.idx.msk [tilespmem:v0+s3+$0x0], $0xffff  }
0x11c: {  	v4 =	vld [tilespmem:s0+$0x20]  }
0x11d: {  	[tilespmem:s1+$0xFFFFFF90] =	vst v5;
	v3 =	vld.idx.msk [tilespmem:v3+s3+$0x0], $0xffff  }
0x11e: {  	v5 =	vld [tilespmem:s0+$0xFFFFFFA0]  }
0x11f: {  	v2 =	vld.idx.msk [tilespmem:v2+s3+$0x0], $0xffff  }
0x120: {  	v7 =	vld.idx.msk [tilespmem:v7+s3+$0x0], $0xffff;
	[tilespmem:s29+$0x50] =	vst v0  }
0x121: {  	v0 =	vld [tilespmem:s4+$0x60]  }
0x122: {  	s19 =	simm.s32 $0x1DEF0;
	[tilespmem:s30+$0xFFFFFFB0] =	vst v3;
	v1 =	vld.idx.msk [tilespmem:v1+s3+$0x0], $0xffff  }
0x123: {  	[tilespmem:s19+$0x0] =	vst v6;
	v3 =	vld [tilespmem:s31+$0xFFFFFFC0]  }
0x124: {  	[tilespmem:s29+$0xFFFFFFD0] =	vst v2;
	v2 =	vld.idx.msk [tilespmem:v4+s3+$0x0], $0xffff  }
0x125: {  	v6 =	vld [tilespmem:s2+$0x10]  }
0x126: {  	v4 =	vld [tilespmem:s4+$0xFFFFFFE0]  }
0x127: {  	v5 =	vld.idx.msk [tilespmem:v5+s3+$0x0], $0xffff;
	[tilespmem:s30+$0x40] =	vst v1  }
0x128: {  	v1 =	vld [tilespmem:s31+$0x50]  }
0x129: {  	[tilespmem:s1+$0x20] =	vst v2;
	v0 =	vld.idx.msk [tilespmem:v0+s3+$0x0], $0xffff  }
0x12a: {  	v2 =	vld [tilespmem:s0+$0x30]  }
0x12b: {  	[tilespmem:s19+$0xFFFFFF80] =	vst v7;
	v3 =	vld.idx.msk [tilespmem:v3+s3+$0x0], $0xffff  }
0x12c: {  	v8 =	vld [tilespmem:s2+$0xFFFFFF90];
	[tilespmem:s1+$0xFFFFFFA0] =	vst v5  }
0x12d: {  	v9 =	vld [tilespmem:s0+$0xFFFFFFB0]  }
0x12e: {  	v4 =	vld.idx.msk [tilespmem:v4+s3+$0x0], $0xffff;
	[tilespmem:s29+$0x60] =	vst v0  }
0x12f: {  	v0 =	vld [tilespmem:s4+$0x70]  }
0x130: {  	[tilespmem:s30+$0xFFFFFFC0] =	vst v3;
	v1 =	vld.idx.msk [tilespmem:v1+s3+$0x0], $0xffff  }
0x131: {  	v10 =	vld [tilespmem:s31+$0xFFFFFFD0]  }
0x132: {  	v2 =	vld.idx.msk [tilespmem:v2+s3+$0x0], $0xffff  }
0x133: {  	[tilespmem:s29+$0xFFFFFFE0] =	vst v4;
	v4 =	vld.idx.msk [tilespmem:v6+s3+$0x0], $0xffff;
	_ =	sdelay $0x1  }
0x134: {  	v5 =	vld.idx.msk [tilespmem:v8+s3+$0x0], $0xffff;
	[tilespmem:s30+$0x50] =	vst v1  }
0x135: {  	v1 =	vld [tilespmem:s31+$0x60]  }
0x136: {  	[tilespmem:s1+$0x30] =	vst v2;
	v7 =	vld.idx.msk [tilespmem:v0+s3+$0x0], $0xffff  }
0x137: {  	[tilespmem:s19+$0x10] =	vst v4;
	v4 =	vld.idx.msk [tilespmem:v9+s3+$0x0], $0xffff  }
0x138: {  	v3 =	vld [tilespmem:s0+$0x40]  }
0x139: {  	v2 =	vld.idx.msk [tilespmem:v10+s3+$0x0], $0xffff  }
0x13a: {  	v6 =	vld [tilespmem:s2+$0x20]  }
0x13b: {  	s24 =	simm.s32 $0x1B7F0;
	v0 =	vld [tilespmem:s4+$0xFFFFFFF0];
	s4 =	simm.s32 $0x6;
	[tilespmem:s29+$0x70] =	vst v7  }
.LBB2_4:
0x13c: {  	v7 =	vld [tilespmem:s24+$0x0];
	s4 =	sadd.s32 $0x2, s4;
	s5 =	smov.u32 s1;
	s1 =	smov.u32 s19  }
0x13d: {  	v8 =	vld [tilespmem:s24+$0xFFFFFF80];
	p1 =	slt.u32 s4, $0x26;
	[tilespmem:s19+$0xFFFFFF90] =	vst v5  }
0x13e: {  	v1 =	vld.idx.msk [tilespmem:v1+s3+$0x0], $0xffff  }
0x13f: {  	v5 =	vld [tilespmem:s2+$0xFFFFFFA0];
	[tilespmem:s5+$0xFFFFFFB0] =	vst v4  }
0x140: {  	v3 =	vld.idx.msk [tilespmem:v3+s3+$0x0], $0xffff  }
0x141: {  	v4 =	vld [tilespmem:s0+$0xFFFFFFC0];
	[tilespmem:s30+$0xFFFFFFD0] =	vst v2  }
0x142: {  	v2 =	vld.idx.msk [tilespmem:v6+s3+$0x0], $0xffff  }
0x143: {  	v6 =	vld [tilespmem:s31+$0xFFFFFFE0]  }
0x144: {  	v7 =	vld.idx.msk [tilespmem:v7+s3+$0x0], $0xffff;
	[tilespmem:s30+$0x60] =	vst v1  }
0x145: {  	v1 =	vld [tilespmem:s31+$0x70]  }
0x146: {  	v8 =	vld.idx.msk [tilespmem:v8+s3+$0x0], $0xffff;
	[tilespmem:s5+$0x40] =	vst v3  }
0x147: {  	v3 =	vld [tilespmem:s0+$0x50]  }
0x148: {  	v5 =	vld.idx.msk [tilespmem:v5+s3+$0x0], $0xffff;
	[tilespmem:s19+$0x20] =	vst v2  }
0x149: {  	s19 =	sadd.s32 $0x100, s19;
	v2 =	vld [tilespmem:s2+$0x30]  }
0x14a: {  	[tilespmem:s19+$0x0] =	vst v7;
	v4 =	vld.idx.msk [tilespmem:v4+s3+$0x0], $0xffff  }
0x14b: {  	v7 =	vld [tilespmem:s24+$0x10]  }
0x14c: {  	[tilespmem:s19+$0xFFFFFF80] =	vst v8;
	v6 =	vld.idx.msk [tilespmem:v6+s3+$0x0], $0xffff  }
0x14d: {  	v1 =	vld.idx.msk [tilespmem:v1+s3+$0x0], $0xffff  }
0x14e: {  	v8 =	vld [tilespmem:s24+$0xFFFFFF90];
	[tilespmem:s1+$0xFFFFFFA0] =	vst v5  }
0x14f: {  	v3 =	vld.idx.msk [tilespmem:v3+s3+$0x0], $0xffff  }
0x150: {  	v9 =	vld [tilespmem:s2+$0xFFFFFFB0];
	[tilespmem:s5+$0xFFFFFFC0] =	vst v4  }
0x151: {  	v2 =	vld.idx.msk [tilespmem:v2+s3+$0x0], $0xffff  }
0x152: {  	v10 =	vld [tilespmem:s0+$0xFFFFFFD0];
	[tilespmem:s30+$0xFFFFFFE0] =	vst v6  }
0x153: {  	v4 =	vld.idx.msk [tilespmem:v7+s3+$0x0], $0xffff;
	[tilespmem:s30+$0x70] =	vst v1  }
0x154: {  	v6 =	vld [tilespmem:s31+$0xFFFFFFF0];
	s31 =	smov.u32 s0;
	s0 =	smov.u32 s2;
	s2 =	smov.u32 s24  }
0x155: {  	[tilespmem:s5+$0x50] =	vst v3;
	v7 =	vld.idx.msk [tilespmem:v0+s3+$0x0], $0xffff  }
0x156: {  	v1 =	vld [tilespmem:s31+$0x60]  }
.Ltmp1:
0x157: {  	v5 =	vld.idx.msk [tilespmem:v8+s3+$0x0], $0xffff;
	[tilespmem:s1+$0x30] =	vst v2;
	(pc) =	sbr.rel @p1 .LBB2_4-.Ltmp1, $4  }
0x158: {  	v3 =	vld [tilespmem:s0+$0x40]  }
0x159: {  	[tilespmem:s19+$0x10] =	vst v4;
	v4 =	vld.idx.msk [tilespmem:v9+s3+$0x0], $0xffff;
	v0 =	vmov v6  }
0x15a: {  	v6 =	vld [tilespmem:s24+$0x20]  }
0x15b: {  	s24 =	sadd.s32 $0x100, s24;
	v2 =	vld.idx.msk [tilespmem:v10+s3+$0x0], $0xffff;
	[tilespmem:s29+$0xFFFFFFF0] =	vst v7;
	s29 =	smov.u32 s30;
	s30 =	smov.u32 s5  }
0x15c: {  	[tilespmem:s19+$0xFFFFFF90] =	vst v5  }
0x15d: {  	v5 =	vld [tilespmem:s2+$0xFFFFFFA0];
	_ =	sdelay $0x6  }
0x15e: {  	v6 =	vld.idx.msk [tilespmem:v6+s3+$0x0], $0xffff  }
0x15f: {  	v5 =	vld.idx.msk [tilespmem:v5+s3+$0x0], $0xffff;
	_ =	sdelay $0x3  }
0x160: {  	[tilespmem:s19+$0x20] =	vst v6  }
0x161: {  	v6 =	vld [tilespmem:s2+$0x30];
	[tilespmem:s19+$0xFFFFFFA0] =	vst v5  }
0x162: {  	v5 =	vld [tilespmem:s2+$0xFFFFFFB0];
	_ =	sdelay $0x6  }
0x163: {  	v6 =	vld.idx.msk [tilespmem:v6+s3+$0x0], $0xffff  }
0x164: {  	v5 =	vld.idx.msk [tilespmem:v5+s3+$0x0], $0xffff;
	_ =	sdelay $0x2  }
0x165: {  	[tilespmem:s1+$0xFFFFFFB0] =	vst v4  }
0x166: {  	[tilespmem:s19+$0x30] =	vst v6;
	v6 =	vld [tilespmem:s0+$0xFFFFFFC0]  }
0x167: {  	v4 =	vld [tilespmem:s2+$0x40];
	[tilespmem:s19+$0xFFFFFFB0] =	vst v5  }
0x168: {  	v5 =	vld [tilespmem:s2+$0xFFFFFFC0];
	_ =	sdelay $0x4  }
0x169: {  	v3 =	vld.idx.msk [tilespmem:v3+s3+$0x0], $0xffff  }
0x16a: {  	v6 =	vld.idx.msk [tilespmem:v6+s3+$0x0], $0xffff  }
0x16b: {  	v4 =	vld.idx.msk [tilespmem:v4+s3+$0x0], $0xffff  }
0x16c: {  	v5 =	vld.idx.msk [tilespmem:v5+s3+$0x0], $0xffff;
	_ =	sdelay $0x1  }
0x16d: {  	[tilespmem:s1+$0x40] =	vst v3  }
0x16e: {  	v3 =	vld [tilespmem:s0+$0x50];
	[tilespmem:s1+$0xFFFFFFC0] =	vst v6  }
0x16f: {  	[tilespmem:s19+$0x40] =	vst v4;
	v6 =	vld [tilespmem:s0+$0xFFFFFFD0]  }
0x170: {  	v4 =	vld [tilespmem:s2+$0x50];
	[tilespmem:s19+$0xFFFFFFC0] =	vst v5  }
0x171: {  	v5 =	vld [tilespmem:s2+$0xFFFFFFD0];
	_ =	sdelay $0x4  }
0x172: {  	v3 =	vld.idx.msk [tilespmem:v3+s3+$0x0], $0xffff  }
0x173: {  	v6 =	vld.idx.msk [tilespmem:v6+s3+$0x0], $0xffff  }
0x174: {  	v4 =	vld.idx.msk [tilespmem:v4+s3+$0x0], $0xffff  }
0x175: {  	v5 =	vld.idx.msk [tilespmem:v5+s3+$0x0], $0xffff  }
0x176: {  	v1 =	vld.idx.msk [tilespmem:v1+s3+$0x0], $0xffff;
	[tilespmem:s30+$0xFFFFFFD0] =	vst v2  }
0x177: {  	[tilespmem:s1+$0x50] =	vst v3;
	v3 =	vld [tilespmem:s31+$0xFFFFFFE0]  }
0x178: {  	v2 =	vld [tilespmem:s0+$0x60];
	[tilespmem:s1+$0xFFFFFFD0] =	vst v6  }
0x179: {  	[tilespmem:s19+$0x50] =	vst v4;
	v6 =	vld [tilespmem:s0+$0xFFFFFFE0]  }
0x17a: {  	v4 =	vld [tilespmem:s2+$0x60];
	[tilespmem:s19+$0xFFFFFFD0] =	vst v5  }
0x17b: {  	v5 =	vld [tilespmem:s2+$0xFFFFFFE0];
	_ =	sdelay $0x1  }
0x17c: {  	[tilespmem:s30+$0x60] =	vst v1  }
0x17d: {  	v1 =	vld [tilespmem:s31+$0x70]  }
0x17e: {  	v3 =	vld.idx.msk [tilespmem:v3+s3+$0x0], $0xffff  }
0x17f: {  	v2 =	vld.idx.msk [tilespmem:v2+s3+$0x0], $0xffff  }
0x180: {  	v6 =	vld.idx.msk [tilespmem:v6+s3+$0x0], $0xffff  }
0x181: {  	v4 =	vld.idx.msk [tilespmem:v4+s3+$0x0], $0xffff  }
0x182: {  	v5 =	vld.idx.msk [tilespmem:v5+s3+$0x0], $0xffff  }
0x183: {  	[tilespmem:s30+$0xFFFFFFE0] =	vst v3  }
0x184: {  	[tilespmem:s1+$0x60] =	vst v2;
	v3 =	vld [tilespmem:s31+$0xFFFFFFF0]  }
0x185: {  	v2 =	vld [tilespmem:s0+$0x70];
	[tilespmem:s1+$0xFFFFFFE0] =	vst v6  }
0x186: {  	[tilespmem:s19+$0x60] =	vst v4;
	v6 =	vld [tilespmem:s0+$0xFFFFFFF0]  }
0x187: {  	v4 =	vld [tilespmem:s2+$0x70];
	[tilespmem:s19+$0xFFFFFFE0] =	vst v5  }
0x188: {  	v5 =	vld [tilespmem:s2+$0xFFFFFFF0]  }
0x189: {  	v1 =	vld.idx.msk [tilespmem:v1+s3+$0x0], $0xffff;
	_ =	sdelay $0x1  }
0x18a: {  	v0 =	vld.idx.msk [tilespmem:v0+s3+$0x0], $0xffff  }
0x18b: {  	v3 =	vld.idx.msk [tilespmem:v3+s3+$0x0], $0xffff  }
0x18c: {  	v2 =	vld.idx.msk [tilespmem:v2+s3+$0x0], $0xffff  }
0x18d: {  	[tilespmem:s30+$0x70] =	vst v1;
	v1 =	vld.idx.msk [tilespmem:v6+s3+$0x0], $0xffff  }
0x18e: {  	v4 =	vld.idx.msk [tilespmem:v4+s3+$0x0], $0xffff  }
0x18f: {  	[tilespmem:s29+$0xFFFFFFF0] =	vst v0;
	v0 =	vld.idx.msk [tilespmem:v5+s3+$0x0], $0xffff  }
0x190: {  	[tilespmem:s30+$0xFFFFFFF0] =	vst v3  }
0x191: {  	[tilespmem:s1+$0x70] =	vst v2  }
0x192: {  	[tilespmem:s1+$0xFFFFFFF0] =	vst v1  }
0x193: {  	[tilespmem:s19+$0x70] =	vst v4  }
0x194: {  	[tilespmem:s19+$0xFFFFFFF0] =	vst v0;
	s19 =	simm.s32 $0x1DB70  }
0x195: {  	[hbm4b:s8+s15] =	stream.strided.scatter [tilespmem:s19], [sflag:$0x4], $0x1400, s16, s15, $0x38;
	[tilespmem:$0x1EF70] =	vst v63  }
0x196: {  	s24 =	simm.s32 $0x1B370  }
0x197: {  	[tilespmem:s24], [sflag:$0x2] =	stream.strided.gather [hbm4b:s9+s15], $0x1400, s16, s15, $0x38;
	[tilespmem:$0x1EF70] =	vst v63  }
0x198: {  	_ =	swait.ge [sflag:s21], $0x1400  }
0x199: {  	[sflag:s21] =	ssyncset.done $0x0  }
0x19a: {  	[sflag:s21] =	ssyncadd.s32 $0xFFFFEC00  }
0x19b: {  	_ =	swait.ge [sflag:s25], $0x1400  }
0x19c: {  	[sflag:s25] =	ssyncset.done $0x0  }
0x19d: {  	s4 =	simm.s32 $0x19FF0;
	[sflag:s25] =	ssyncadd.s32 $0xFFFFEC00  }
0x19e: {  	v0 =	vld [tilespmem:s4+$0x0];
	_ =	sdelay $0x1  }
0x19f: {  	v1 =	vld [tilespmem:s4+$0xFFFFFF80];
	_ =	sdelay $0x5  }
0x1a0: {  	v0 =	vld.idx.msk [tilespmem:v0+s3+$0x0], $0xffff;
	_ =	sdelay $0x1  }
0x1a1: {  	v1 =	vld.idx.msk [tilespmem:v1+s3+$0x0], $0xffff;
	_ =	sdelay $0x1  }
0x1a2: {  	s29 =	simm.s32 $0x1C7F0  }
0x1a3: {  	[tilespmem:s29+$0x0] =	vst v0  }
0x1a4: {  	v0 =	vld [tilespmem:s4+$0x10]  }
0x1a5: {  	[tilespmem:s29+$0xFFFFFF80] =	vst v1  }
0x1a6: {  	v1 =	vld [tilespmem:s4+$0xFFFFFF90];
	_ =	sdelay $0x3  }
0x1a7: {  	s31 =	simm.s32 $0x1A0F0  }
0x1a8: {  	v2 =	vld [tilespmem:s31+$0x0]  }
0x1a9: {  	v0 =	vld.idx.msk [tilespmem:v0+s3+$0x0], $0xffff;
	_ =	sdelay $0x1  }
0x1aa: {  	v1 =	vld.idx.msk [tilespmem:v1+s3+$0x0], $0xffff;
	_ =	sdelay $0x2  }
0x1ab: {  	[tilespmem:s29+$0x10] =	vst v0  }
0x1ac: {  	v0 =	vld [tilespmem:s4+$0x20]  }
0x1ad: {  	[tilespmem:s29+$0xFFFFFF90] =	vst v1;
	v1 =	vld.idx.msk [tilespmem:v2+s3+$0x0], $0xffff  }
0x1ae: {  	v3 =	vld [tilespmem:s31+$0xFFFFFF80];
	_ =	sdelay $0x1  }
0x1af: {  	v2 =	vld [tilespmem:s4+$0xFFFFFFA0]  }
0x1b0: {  	s30 =	simm.s32 $0x1C8F0  }
0x1b1: {  	[tilespmem:s30+$0x0] =	vst v1  }
0x1b2: {  	v1 =	vld [tilespmem:s31+$0x10]  }
0x1b3: {  	v0 =	vld.idx.msk [tilespmem:v0+s3+$0x0], $0xffff;
	_ =	sdelay $0x1  }
0x1b4: {  	v3 =	vld.idx.msk [tilespmem:v3+s3+$0x0], $0xffff;
	_ =	sdelay $0x1  }
0x1b5: {  	v2 =	vld.idx.msk [tilespmem:v2+s3+$0x0], $0xffff  }
0x1b6: {  	[tilespmem:s29+$0x20] =	vst v0  }
0x1b7: {  	v0 =	vld [tilespmem:s4+$0x30]  }
0x1b8: {  	[tilespmem:s30+$0xFFFFFF80] =	vst v3;
	v1 =	vld.idx.msk [tilespmem:v1+s3+$0x0], $0xffff  }
0x1b9: {  	v3 =	vld [tilespmem:s31+$0xFFFFFF90]  }
0x1ba: {  	[tilespmem:s29+$0xFFFFFFA0] =	vst v2  }
0x1bb: {  	v2 =	vld [tilespmem:s4+$0xFFFFFFB0];
	_ =	sdelay $0x1  }
0x1bc: {  	[tilespmem:s30+$0x10] =	vst v1  }
0x1bd: {  	v1 =	vld [tilespmem:s31+$0x20]  }
0x1be: {  	s0 =	simm.s32 $0x1A1F0;
	v0 =	vld.idx.msk [tilespmem:v0+s3+$0x0], $0xffff  }
0x1bf: {  	v4 =	vld [tilespmem:s0+$0x0]  }
0x1c0: {  	v3 =	vld.idx.msk [tilespmem:v3+s3+$0x0], $0xffff  }
0x1c1: {  	v5 =	vld [tilespmem:s0+$0xFFFFFF80]  }
0x1c2: {  	v2 =	vld.idx.msk [tilespmem:v2+s3+$0x0], $0xffff  }
0x1c3: {  	[tilespmem:s29+$0x30] =	vst v0  }
0x1c4: {  	v0 =	vld [tilespmem:s4+$0x40]  }
0x1c5: {  	[tilespmem:s30+$0xFFFFFF90] =	vst v3;
	v1 =	vld.idx.msk [tilespmem:v1+s3+$0x0], $0xffff  }
0x1c6: {  	v3 =	vld [tilespmem:s31+$0xFFFFFFA0]  }
0x1c7: {  	v4 =	vld.idx.msk [tilespmem:v4+s3+$0x0], $0xffff;
	[tilespmem:s29+$0xFFFFFFB0] =	vst v2  }
0x1c8: {  	v2 =	vld [tilespmem:s4+$0xFFFFFFC0]  }
0x1c9: {  	s2 =	simm.s32 $0x1A2F0;
	v5 =	vld.idx.msk [tilespmem:v5+s3+$0x0], $0xffff  }
0x1ca: {  	v6 =	vld [tilespmem:s2+$0x0];
	[tilespmem:s30+$0x20] =	vst v1  }
0x1cb: {  	s1 =	simm.s32 $0x1C9F0;
	v1 =	vld [tilespmem:s31+$0x30]  }
0x1cc: {  	[tilespmem:s1+$0x0] =	vst v4;
	v0 =	vld.idx.msk [tilespmem:v0+s3+$0x0], $0xffff  }
0x1cd: {  	v4 =	vld [tilespmem:s0+$0x10]  }
0x1ce: {  	[tilespmem:s1+$0xFFFFFF80] =	vst v5;
	v3 =	vld.idx.msk [tilespmem:v3+s3+$0x0], $0xffff  }
0x1cf: {  	v5 =	vld [tilespmem:s0+$0xFFFFFF90]  }
0x1d0: {  	v2 =	vld.idx.msk [tilespmem:v2+s3+$0x0], $0xffff  }
0x1d1: {  	v7 =	vld [tilespmem:s2+$0xFFFFFF80];
	[tilespmem:s29+$0x40] =	vst v0  }
0x1d2: {  	v0 =	vld [tilespmem:s4+$0x50]  }
0x1d3: {  	[tilespmem:s30+$0xFFFFFFA0] =	vst v3;
	v1 =	vld.idx.msk [tilespmem:v1+s3+$0x0], $0xffff  }
0x1d4: {  	v3 =	vld [tilespmem:s31+$0xFFFFFFB0]  }
0x1d5: {  	v4 =	vld.idx.msk [tilespmem:v4+s3+$0x0], $0xffff;
	[tilespmem:s29+$0xFFFFFFC0] =	vst v2  }
0x1d6: {  	v2 =	vld [tilespmem:s4+$0xFFFFFFD0]  }
0x1d7: {  	v5 =	vld.idx.msk [tilespmem:v5+s3+$0x0], $0xffff  }
0x1d8: {  	v6 =	vld.idx.msk [tilespmem:v6+s3+$0x0], $0xffff;
	[tilespmem:s30+$0x30] =	vst v1  }
0x1d9: {  	v1 =	vld [tilespmem:s31+$0x40]  }
0x1da: {  	[tilespmem:s1+$0x10] =	vst v4;
	v0 =	vld.idx.msk [tilespmem:v0+s3+$0x0], $0xffff  }
0x1db: {  	v4 =	vld [tilespmem:s0+$0x20]  }
0x1dc: {  	[tilespmem:s1+$0xFFFFFF90] =	vst v5;
	v3 =	vld.idx.msk [tilespmem:v3+s3+$0x0], $0xffff  }
0x1dd: {  	v5 =	vld [tilespmem:s0+$0xFFFFFFA0]  }
0x1de: {  	v2 =	vld.idx.msk [tilespmem:v2+s3+$0x0], $0xffff  }
0x1df: {  	v7 =	vld.idx.msk [tilespmem:v7+s3+$0x0], $0xffff;
	[tilespmem:s29+$0x50] =	vst v0  }
0x1e0: {  	v0 =	vld [tilespmem:s4+$0x60]  }
0x1e1: {  	s19 =	simm.s32 $0x1CAF0;
	[tilespmem:s30+$0xFFFFFFB0] =	vst v3;
	v1 =	vld.idx.msk [tilespmem:v1+s3+$0x0], $0xffff  }
0x1e2: {  	[tilespmem:s19+$0x0] =	vst v6;
	v3 =	vld [tilespmem:s31+$0xFFFFFFC0]  }
0x1e3: {  	[tilespmem:s29+$0xFFFFFFD0] =	vst v2;
	v2 =	vld.idx.msk [tilespmem:v4+s3+$0x0], $0xffff  }
0x1e4: {  	v6 =	vld [tilespmem:s2+$0x10]  }
0x1e5: {  	v4 =	vld [tilespmem:s4+$0xFFFFFFE0]  }
0x1e6: {  	v5 =	vld.idx.msk [tilespmem:v5+s3+$0x0], $0xffff;
	[tilespmem:s30+$0x40] =	vst v1  }
0x1e7: {  	v1 =	vld [tilespmem:s31+$0x50]  }
0x1e8: {  	[tilespmem:s1+$0x20] =	vst v2;
	v0 =	vld.idx.msk [tilespmem:v0+s3+$0x0], $0xffff  }
0x1e9: {  	v2 =	vld [tilespmem:s0+$0x30]  }
0x1ea: {  	[tilespmem:s19+$0xFFFFFF80] =	vst v7;
	v3 =	vld.idx.msk [tilespmem:v3+s3+$0x0], $0xffff  }
0x1eb: {  	v8 =	vld [tilespmem:s2+$0xFFFFFF90];
	[tilespmem:s1+$0xFFFFFFA0] =	vst v5  }
0x1ec: {  	v9 =	vld [tilespmem:s0+$0xFFFFFFB0]  }
0x1ed: {  	v4 =	vld.idx.msk [tilespmem:v4+s3+$0x0], $0xffff;
	[tilespmem:s29+$0x60] =	vst v0  }
0x1ee: {  	v0 =	vld [tilespmem:s4+$0x70]  }
0x1ef: {  	[tilespmem:s30+$0xFFFFFFC0] =	vst v3;
	v1 =	vld.idx.msk [tilespmem:v1+s3+$0x0], $0xffff  }
0x1f0: {  	v10 =	vld [tilespmem:s31+$0xFFFFFFD0]  }
0x1f1: {  	v2 =	vld.idx.msk [tilespmem:v2+s3+$0x0], $0xffff  }
0x1f2: {  	[tilespmem:s29+$0xFFFFFFE0] =	vst v4;
	v4 =	vld.idx.msk [tilespmem:v6+s3+$0x0], $0xffff;
	_ =	sdelay $0x1  }
0x1f3: {  	v5 =	vld.idx.msk [tilespmem:v8+s3+$0x0], $0xffff;
	[tilespmem:s30+$0x50] =	vst v1  }
0x1f4: {  	v1 =	vld [tilespmem:s31+$0x60]  }
0x1f5: {  	[tilespmem:s1+$0x30] =	vst v2;
	v7 =	vld.idx.msk [tilespmem:v0+s3+$0x0], $0xffff  }
0x1f6: {  	[tilespmem:s19+$0x10] =	vst v4;
	v4 =	vld.idx.msk [tilespmem:v9+s3+$0x0], $0xffff  }
0x1f7: {  	v3 =	vld [tilespmem:s0+$0x40]  }
0x1f8: {  	v2 =	vld.idx.msk [tilespmem:v10+s3+$0x0], $0xffff  }
0x1f9: {  	v6 =	vld [tilespmem:s2+$0x20]  }
0x1fa: {  	s24 =	simm.s32 $0x1A3F0;
	v0 =	vld [tilespmem:s4+$0xFFFFFFF0];
	s4 =	simm.s32 $0x6;
	[tilespmem:s29+$0x70] =	vst v7  }
.LBB2_6:
0x1fb: {  	v7 =	vld [tilespmem:s24+$0x0];
	s4 =	sadd.s32 $0x2, s4;
	s5 =	smov.u32 s1;
	s1 =	smov.u32 s19  }
0x1fc: {  	v8 =	vld [tilespmem:s24+$0xFFFFFF80];
	p1 =	slt.u32 s4, $0x26;
	[tilespmem:s19+$0xFFFFFF90] =	vst v5  }
0x1fd: {  	v1 =	vld.idx.msk [tilespmem:v1+s3+$0x0], $0xffff  }
0x1fe: {  	v5 =	vld [tilespmem:s2+$0xFFFFFFA0];
	[tilespmem:s5+$0xFFFFFFB0] =	vst v4  }
0x1ff: {  	v3 =	vld.idx.msk [tilespmem:v3+s3+$0x0], $0xffff  }
0x200: {  	v4 =	vld [tilespmem:s0+$0xFFFFFFC0];
	[tilespmem:s30+$0xFFFFFFD0] =	vst v2  }
0x201: {  	v2 =	vld.idx.msk [tilespmem:v6+s3+$0x0], $0xffff  }
0x202: {  	v6 =	vld [tilespmem:s31+$0xFFFFFFE0]  }
0x203: {  	v7 =	vld.idx.msk [tilespmem:v7+s3+$0x0], $0xffff;
	[tilespmem:s30+$0x60] =	vst v1  }
0x204: {  	v1 =	vld [tilespmem:s31+$0x70]  }
0x205: {  	v8 =	vld.idx.msk [tilespmem:v8+s3+$0x0], $0xffff;
	[tilespmem:s5+$0x40] =	vst v3  }
0x206: {  	v3 =	vld [tilespmem:s0+$0x50]  }
0x207: {  	v5 =	vld.idx.msk [tilespmem:v5+s3+$0x0], $0xffff;
	[tilespmem:s19+$0x20] =	vst v2  }
0x208: {  	s19 =	sadd.s32 $0x100, s19;
	v2 =	vld [tilespmem:s2+$0x30]  }
0x209: {  	[tilespmem:s19+$0x0] =	vst v7;
	v4 =	vld.idx.msk [tilespmem:v4+s3+$0x0], $0xffff  }
0x20a: {  	v7 =	vld [tilespmem:s24+$0x10]  }
0x20b: {  	[tilespmem:s19+$0xFFFFFF80] =	vst v8;
	v6 =	vld.idx.msk [tilespmem:v6+s3+$0x0], $0xffff  }
0x20c: {  	v1 =	vld.idx.msk [tilespmem:v1+s3+$0x0], $0xffff  }
0x20d: {  	v8 =	vld [tilespmem:s24+$0xFFFFFF90];
	[tilespmem:s1+$0xFFFFFFA0] =	vst v5  }
0x20e: {  	v3 =	vld.idx.msk [tilespmem:v3+s3+$0x0], $0xffff  }
0x20f: {  	v9 =	vld [tilespmem:s2+$0xFFFFFFB0];
	[tilespmem:s5+$0xFFFFFFC0] =	vst v4  }
0x210: {  	v2 =	vld.idx.msk [tilespmem:v2+s3+$0x0], $0xffff  }
0x211: {  	v10 =	vld [tilespmem:s0+$0xFFFFFFD0];
	[tilespmem:s30+$0xFFFFFFE0] =	vst v6  }
0x212: {  	v4 =	vld.idx.msk [tilespmem:v7+s3+$0x0], $0xffff;
	[tilespmem:s30+$0x70] =	vst v1  }
0x213: {  	v6 =	vld [tilespmem:s31+$0xFFFFFFF0];
	s31 =	smov.u32 s0;
	s0 =	smov.u32 s2;
	s2 =	smov.u32 s24  }
0x214: {  	[tilespmem:s5+$0x50] =	vst v3;
	v7 =	vld.idx.msk [tilespmem:v0+s3+$0x0], $0xffff  }
0x215: {  	v1 =	vld [tilespmem:s31+$0x60]  }
.Ltmp2:
0x216: {  	v5 =	vld.idx.msk [tilespmem:v8+s3+$0x0], $0xffff;
	[tilespmem:s1+$0x30] =	vst v2;
	(pc) =	sbr.rel @p1 .LBB2_6-.Ltmp2, $4  }
0x217: {  	v3 =	vld [tilespmem:s0+$0x40]  }
0x218: {  	[tilespmem:s19+$0x10] =	vst v4;
	v4 =	vld.idx.msk [tilespmem:v9+s3+$0x0], $0xffff;
	v0 =	vmov v6  }
0x219: {  	v6 =	vld [tilespmem:s24+$0x20]  }
0x21a: {  	s24 =	sadd.s32 $0x100, s24;
	v2 =	vld.idx.msk [tilespmem:v10+s3+$0x0], $0xffff;
	[tilespmem:s29+$0xFFFFFFF0] =	vst v7;
	s29 =	smov.u32 s30;
	s30 =	smov.u32 s5  }
0x21b: {  	[tilespmem:s19+$0xFFFFFF90] =	vst v5  }
0x21c: {  	v5 =	vld [tilespmem:s2+$0xFFFFFFA0];
	_ =	sdelay $0x6  }
0x21d: {  	v6 =	vld.idx.msk [tilespmem:v6+s3+$0x0], $0xffff  }
0x21e: {  	v5 =	vld.idx.msk [tilespmem:v5+s3+$0x0], $0xffff;
	_ =	sdelay $0x3  }
0x21f: {  	[tilespmem:s19+$0x20] =	vst v6  }
0x220: {  	v6 =	vld [tilespmem:s2+$0x30];
	[tilespmem:s19+$0xFFFFFFA0] =	vst v5  }
0x221: {  	v5 =	vld [tilespmem:s2+$0xFFFFFFB0];
	_ =	sdelay $0x6  }
0x222: {  	v6 =	vld.idx.msk [tilespmem:v6+s3+$0x0], $0xffff  }
0x223: {  	v5 =	vld.idx.msk [tilespmem:v5+s3+$0x0], $0xffff;
	_ =	sdelay $0x2  }
0x224: {  	[tilespmem:s1+$0xFFFFFFB0] =	vst v4  }
0x225: {  	[tilespmem:s19+$0x30] =	vst v6;
	v6 =	vld [tilespmem:s0+$0xFFFFFFC0]  }
0x226: {  	v4 =	vld [tilespmem:s2+$0x40];
	[tilespmem:s19+$0xFFFFFFB0] =	vst v5  }
0x227: {  	v5 =	vld [tilespmem:s2+$0xFFFFFFC0];
	_ =	sdelay $0x4  }
0x228: {  	v3 =	vld.idx.msk [tilespmem:v3+s3+$0x0], $0xffff  }
0x229: {  	v6 =	vld.idx.msk [tilespmem:v6+s3+$0x0], $0xffff  }
0x22a: {  	v4 =	vld.idx.msk [tilespmem:v4+s3+$0x0], $0xffff  }
0x22b: {  	v5 =	vld.idx.msk [tilespmem:v5+s3+$0x0], $0xffff;
	_ =	sdelay $0x1  }
0x22c: {  	[tilespmem:s1+$0x40] =	vst v3  }
0x22d: {  	v3 =	vld [tilespmem:s0+$0x50];
	[tilespmem:s1+$0xFFFFFFC0] =	vst v6  }
0x22e: {  	[tilespmem:s19+$0x40] =	vst v4;
	v6 =	vld [tilespmem:s0+$0xFFFFFFD0]  }
0x22f: {  	v4 =	vld [tilespmem:s2+$0x50];
	[tilespmem:s19+$0xFFFFFFC0] =	vst v5  }
0x230: {  	v5 =	vld [tilespmem:s2+$0xFFFFFFD0];
	_ =	sdelay $0x4  }
0x231: {  	v3 =	vld.idx.msk [tilespmem:v3+s3+$0x0], $0xffff  }
0x232: {  	v6 =	vld.idx.msk [tilespmem:v6+s3+$0x0], $0xffff  }
0x233: {  	v4 =	vld.idx.msk [tilespmem:v4+s3+$0x0], $0xffff  }
0x234: {  	v5 =	vld.idx.msk [tilespmem:v5+s3+$0x0], $0xffff  }
0x235: {  	v1 =	vld.idx.msk [tilespmem:v1+s3+$0x0], $0xffff;
	[tilespmem:s30+$0xFFFFFFD0] =	vst v2  }
0x236: {  	[tilespmem:s1+$0x50] =	vst v3;
	v3 =	vld [tilespmem:s31+$0xFFFFFFE0]  }
0x237: {  	v2 =	vld [tilespmem:s0+$0x60];
	[tilespmem:s1+$0xFFFFFFD0] =	vst v6  }
0x238: {  	[tilespmem:s19+$0x50] =	vst v4;
	v6 =	vld [tilespmem:s0+$0xFFFFFFE0]  }
0x239: {  	v4 =	vld [tilespmem:s2+$0x60];
	[tilespmem:s19+$0xFFFFFFD0] =	vst v5  }
0x23a: {  	v5 =	vld [tilespmem:s2+$0xFFFFFFE0];
	_ =	sdelay $0x1  }
0x23b: {  	[tilespmem:s30+$0x60] =	vst v1  }
0x23c: {  	v1 =	vld [tilespmem:s31+$0x70]  }
0x23d: {  	v3 =	vld.idx.msk [tilespmem:v3+s3+$0x0], $0xffff  }
0x23e: {  	v2 =	vld.idx.msk [tilespmem:v2+s3+$0x0], $0xffff  }
0x23f: {  	v6 =	vld.idx.msk [tilespmem:v6+s3+$0x0], $0xffff  }
0x240: {  	v4 =	vld.idx.msk [tilespmem:v4+s3+$0x0], $0xffff  }
0x241: {  	v5 =	vld.idx.msk [tilespmem:v5+s3+$0x0], $0xffff  }
0x242: {  	[tilespmem:s30+$0xFFFFFFE0] =	vst v3  }
0x243: {  	[tilespmem:s1+$0x60] =	vst v2;
	v3 =	vld [tilespmem:s31+$0xFFFFFFF0]  }
0x244: {  	v2 =	vld [tilespmem:s0+$0x70];
	[tilespmem:s1+$0xFFFFFFE0] =	vst v6  }
0x245: {  	[tilespmem:s19+$0x60] =	vst v4;
	v6 =	vld [tilespmem:s0+$0xFFFFFFF0]  }
0x246: {  	v4 =	vld [tilespmem:s2+$0x70];
	[tilespmem:s19+$0xFFFFFFE0] =	vst v5  }
0x247: {  	v5 =	vld [tilespmem:s2+$0xFFFFFFF0]  }
0x248: {  	v1 =	vld.idx.msk [tilespmem:v1+s3+$0x0], $0xffff;
	_ =	sdelay $0x1  }
0x249: {  	v0 =	vld.idx.msk [tilespmem:v0+s3+$0x0], $0xffff  }
0x24a: {  	v3 =	vld.idx.msk [tilespmem:v3+s3+$0x0], $0xffff  }
0x24b: {  	v2 =	vld.idx.msk [tilespmem:v2+s3+$0x0], $0xffff  }
0x24c: {  	[tilespmem:s30+$0x70] =	vst v1;
	v1 =	vld.idx.msk [tilespmem:v6+s3+$0x0], $0xffff  }
0x24d: {  	v4 =	vld.idx.msk [tilespmem:v4+s3+$0x0], $0xffff  }
0x24e: {  	[tilespmem:s29+$0xFFFFFFF0] =	vst v0;
	v0 =	vld.idx.msk [tilespmem:v5+s3+$0x0], $0xffff  }
0x24f: {  	[tilespmem:s30+$0xFFFFFFF0] =	vst v3  }
0x250: {  	[tilespmem:s1+$0x70] =	vst v2  }
0x251: {  	[tilespmem:s1+$0xFFFFFFF0] =	vst v1  }
0x252: {  	[tilespmem:s19+$0x70] =	vst v4  }
0x253: {  	[tilespmem:s19+$0xFFFFFFF0] =	vst v0  }
0x254: {  	[hbm4b:s10+s15] =	stream.strided.scatter [tilespmem:s22], [sflag:$0x3], $0x1400, s16, s15, $0x38;
	[tilespmem:$0x1EF70] =	vst v63  }
0x255: {  	_ = 	snop  }
0x256: {  	[tilespmem:s17], [sflag:$0x1] =	stream.strided.gather [hbm4b:s11+s15], $0x1400, s16, s15, $0x38;
	[tilespmem:$0x1EF70] =	vst v63  }
0x257: {  	_ =	swait.ge [sflag:s23], $0x1400  }
0x258: {  	[sflag:s23] =	ssyncset.done $0x0  }
0x259: {  	[sflag:s23] =	ssyncadd.s32 $0xFFFFEC00  }
0x25a: {  	_ =	swait.ge [sflag:s26], $0x1400  }
0x25b: {  	[sflag:s26] =	ssyncset.done $0x0  }
0x25c: {  	s4 =	simm.s32 $0x1B3F0;
	[sflag:s26] =	ssyncadd.s32 $0xFFFFEC00  }
0x25d: {  	v0 =	vld [tilespmem:s4+$0x0];
	_ =	sdelay $0x1  }
0x25e: {  	v1 =	vld [tilespmem:s4+$0xFFFFFF80];
	_ =	sdelay $0x5  }
0x25f: {  	v0 =	vld.idx.msk [tilespmem:v0+s3+$0x0], $0xffff;
	_ =	sdelay $0x1  }
0x260: {  	v1 =	vld.idx.msk [tilespmem:v1+s3+$0x0], $0xffff;
	_ =	sdelay $0x1  }
0x261: {  	s29 =	simm.s32 $0x1DBF0  }
0x262: {  	[tilespmem:s29+$0x0] =	vst v0  }
0x263: {  	v0 =	vld [tilespmem:s4+$0x10]  }
0x264: {  	[tilespmem:s29+$0xFFFFFF80] =	vst v1  }
0x265: {  	v1 =	vld [tilespmem:s4+$0xFFFFFF90];
	_ =	sdelay $0x3  }
0x266: {  	s31 =	simm.s32 $0x1B4F0  }
0x267: {  	v2 =	vld [tilespmem:s31+$0x0]  }
0x268: {  	v0 =	vld.idx.msk [tilespmem:v0+s3+$0x0], $0xffff;
	_ =	sdelay $0x1  }
0x269: {  	v1 =	vld.idx.msk [tilespmem:v1+s3+$0x0], $0xffff;
	_ =	sdelay $0x2  }
0x26a: {  	[tilespmem:s29+$0x10] =	vst v0  }
0x26b: {  	v0 =	vld [tilespmem:s4+$0x20]  }
0x26c: {  	[tilespmem:s29+$0xFFFFFF90] =	vst v1;
	v1 =	vld.idx.msk [tilespmem:v2+s3+$0x0], $0xffff  }
0x26d: {  	v3 =	vld [tilespmem:s31+$0xFFFFFF80];
	_ =	sdelay $0x1  }
0x26e: {  	v2 =	vld [tilespmem:s4+$0xFFFFFFA0]  }
0x26f: {  	s30 =	simm.s32 $0x1DCF0  }
0x270: {  	[tilespmem:s30+$0x0] =	vst v1  }
0x271: {  	v1 =	vld [tilespmem:s31+$0x10]  }
0x272: {  	v0 =	vld.idx.msk [tilespmem:v0+s3+$0x0], $0xffff;
	_ =	sdelay $0x1  }
0x273: {  	v3 =	vld.idx.msk [tilespmem:v3+s3+$0x0], $0xffff;
	_ =	sdelay $0x1  }
0x274: {  	v2 =	vld.idx.msk [tilespmem:v2+s3+$0x0], $0xffff  }
0x275: {  	[tilespmem:s29+$0x20] =	vst v0  }
0x276: {  	v0 =	vld [tilespmem:s4+$0x30]  }
0x277: {  	[tilespmem:s30+$0xFFFFFF80] =	vst v3;
	v1 =	vld.idx.msk [tilespmem:v1+s3+$0x0], $0xffff  }
0x278: {  	v3 =	vld [tilespmem:s31+$0xFFFFFF90]  }
0x279: {  	[tilespmem:s29+$0xFFFFFFA0] =	vst v2  }
0x27a: {  	v2 =	vld [tilespmem:s4+$0xFFFFFFB0];
	_ =	sdelay $0x1  }
0x27b: {  	[tilespmem:s30+$0x10] =	vst v1  }
0x27c: {  	v1 =	vld [tilespmem:s31+$0x20]  }
0x27d: {  	s0 =	simm.s32 $0x1B5F0;
	v0 =	vld.idx.msk [tilespmem:v0+s3+$0x0], $0xffff  }
0x27e: {  	v4 =	vld [tilespmem:s0+$0x0]  }
0x27f: {  	v3 =	vld.idx.msk [tilespmem:v3+s3+$0x0], $0xffff  }
0x280: {  	v5 =	vld [tilespmem:s0+$0xFFFFFF80]  }
0x281: {  	v2 =	vld.idx.msk [tilespmem:v2+s3+$0x0], $0xffff  }
0x282: {  	[tilespmem:s29+$0x30] =	vst v0  }
0x283: {  	v0 =	vld [tilespmem:s4+$0x40]  }
0x284: {  	[tilespmem:s30+$0xFFFFFF90] =	vst v3;
	v1 =	vld.idx.msk [tilespmem:v1+s3+$0x0], $0xffff  }
0x285: {  	v3 =	vld [tilespmem:s31+$0xFFFFFFA0]  }
0x286: {  	v4 =	vld.idx.msk [tilespmem:v4+s3+$0x0], $0xffff;
	[tilespmem:s29+$0xFFFFFFB0] =	vst v2  }
0x287: {  	v2 =	vld [tilespmem:s4+$0xFFFFFFC0]  }
0x288: {  	s2 =	simm.s32 $0x1B6F0;
	v5 =	vld.idx.msk [tilespmem:v5+s3+$0x0], $0xffff  }
0x289: {  	v6 =	vld [tilespmem:s2+$0x0];
	[tilespmem:s30+$0x20] =	vst v1  }
0x28a: {  	s1 =	simm.s32 $0x1DDF0;
	v1 =	vld [tilespmem:s31+$0x30]  }
0x28b: {  	[tilespmem:s1+$0x0] =	vst v4;
	v0 =	vld.idx.msk [tilespmem:v0+s3+$0x0], $0xffff  }
0x28c: {  	v4 =	vld [tilespmem:s0+$0x10]  }
0x28d: {  	[tilespmem:s1+$0xFFFFFF80] =	vst v5;
	v3 =	vld.idx.msk [tilespmem:v3+s3+$0x0], $0xffff  }
0x28e: {  	v5 =	vld [tilespmem:s0+$0xFFFFFF90]  }
0x28f: {  	v2 =	vld.idx.msk [tilespmem:v2+s3+$0x0], $0xffff  }
0x290: {  	v7 =	vld [tilespmem:s2+$0xFFFFFF80];
	[tilespmem:s29+$0x40] =	vst v0  }
0x291: {  	v0 =	vld [tilespmem:s4+$0x50]  }
0x292: {  	[tilespmem:s30+$0xFFFFFFA0] =	vst v3;
	v1 =	vld.idx.msk [tilespmem:v1+s3+$0x0], $0xffff  }
0x293: {  	v3 =	vld [tilespmem:s31+$0xFFFFFFB0]  }
0x294: {  	v4 =	vld.idx.msk [tilespmem:v4+s3+$0x0], $0xffff;
	[tilespmem:s29+$0xFFFFFFC0] =	vst v2  }
0x295: {  	v2 =	vld [tilespmem:s4+$0xFFFFFFD0]  }
0x296: {  	v5 =	vld.idx.msk [tilespmem:v5+s3+$0x0], $0xffff  }
0x297: {  	v6 =	vld.idx.msk [tilespmem:v6+s3+$0x0], $0xffff;
	[tilespmem:s30+$0x30] =	vst v1  }
0x298: {  	v1 =	vld [tilespmem:s31+$0x40]  }
0x299: {  	[tilespmem:s1+$0x10] =	vst v4;
	v0 =	vld.idx.msk [tilespmem:v0+s3+$0x0], $0xffff  }
0x29a: {  	v4 =	vld [tilespmem:s0+$0x20]  }
0x29b: {  	[tilespmem:s1+$0xFFFFFF90] =	vst v5;
	v3 =	vld.idx.msk [tilespmem:v3+s3+$0x0], $0xffff  }
0x29c: {  	v5 =	vld [tilespmem:s0+$0xFFFFFFA0]  }
0x29d: {  	v2 =	vld.idx.msk [tilespmem:v2+s3+$0x0], $0xffff  }
0x29e: {  	v7 =	vld.idx.msk [tilespmem:v7+s3+$0x0], $0xffff;
	[tilespmem:s29+$0x50] =	vst v0  }
0x29f: {  	v0 =	vld [tilespmem:s4+$0x60]  }
0x2a0: {  	s19 =	simm.s32 $0x1DEF0;
	[tilespmem:s30+$0xFFFFFFB0] =	vst v3;
	v1 =	vld.idx.msk [tilespmem:v1+s3+$0x0], $0xffff  }
0x2a1: {  	[tilespmem:s19+$0x0] =	vst v6;
	v3 =	vld [tilespmem:s31+$0xFFFFFFC0]  }
0x2a2: {  	[tilespmem:s29+$0xFFFFFFD0] =	vst v2;
	v2 =	vld.idx.msk [tilespmem:v4+s3+$0x0], $0xffff  }
0x2a3: {  	v6 =	vld [tilespmem:s2+$0x10]  }
0x2a4: {  	v4 =	vld [tilespmem:s4+$0xFFFFFFE0]  }
0x2a5: {  	v5 =	vld.idx.msk [tilespmem:v5+s3+$0x0], $0xffff;
	[tilespmem:s30+$0x40] =	vst v1  }
0x2a6: {  	v1 =	vld [tilespmem:s31+$0x50]  }
0x2a7: {  	[tilespmem:s1+$0x20] =	vst v2;
	v0 =	vld.idx.msk [tilespmem:v0+s3+$0x0], $0xffff  }
0x2a8: {  	v2 =	vld [tilespmem:s0+$0x30]  }
0x2a9: {  	[tilespmem:s19+$0xFFFFFF80] =	vst v7;
	v3 =	vld.idx.msk [tilespmem:v3+s3+$0x0], $0xffff  }
0x2aa: {  	v8 =	vld [tilespmem:s2+$0xFFFFFF90];
	[tilespmem:s1+$0xFFFFFFA0] =	vst v5  }
0x2ab: {  	v9 =	vld [tilespmem:s0+$0xFFFFFFB0]  }
0x2ac: {  	v4 =	vld.idx.msk [tilespmem:v4+s3+$0x0], $0xffff;
	[tilespmem:s29+$0x60] =	vst v0  }
0x2ad: {  	v0 =	vld [tilespmem:s4+$0x70]  }
0x2ae: {  	[tilespmem:s30+$0xFFFFFFC0] =	vst v3;
	v1 =	vld.idx.msk [tilespmem:v1+s3+$0x0], $0xffff  }
0x2af: {  	v10 =	vld [tilespmem:s31+$0xFFFFFFD0]  }
0x2b0: {  	v2 =	vld.idx.msk [tilespmem:v2+s3+$0x0], $0xffff  }
0x2b1: {  	[tilespmem:s29+$0xFFFFFFE0] =	vst v4;
	v4 =	vld.idx.msk [tilespmem:v6+s3+$0x0], $0xffff;
	_ =	sdelay $0x1  }
0x2b2: {  	v5 =	vld.idx.msk [tilespmem:v8+s3+$0x0], $0xffff;
	[tilespmem:s30+$0x50] =	vst v1  }
0x2b3: {  	v1 =	vld [tilespmem:s31+$0x60]  }
0x2b4: {  	[tilespmem:s1+$0x30] =	vst v2;
	v7 =	vld.idx.msk [tilespmem:v0+s3+$0x0], $0xffff  }
0x2b5: {  	[tilespmem:s19+$0x10] =	vst v4;
	v4 =	vld.idx.msk [tilespmem:v9+s3+$0x0], $0xffff  }
0x2b6: {  	v3 =	vld [tilespmem:s0+$0x40]  }
0x2b7: {  	v2 =	vld.idx.msk [tilespmem:v10+s3+$0x0], $0xffff  }
0x2b8: {  	v6 =	vld [tilespmem:s2+$0x20]  }
0x2b9: {  	s24 =	simm.s32 $0x1B7F0;
	v0 =	vld [tilespmem:s4+$0xFFFFFFF0];
	s4 =	simm.s32 $0x6;
	[tilespmem:s29+$0x70] =	vst v7  }
.LBB2_8:
0x2ba: {  	v7 =	vld [tilespmem:s24+$0x0];
	s4 =	sadd.s32 $0x2, s4;
	s5 =	smov.u32 s1;
	s1 =	smov.u32 s19  }
0x2bb: {  	v8 =	vld [tilespmem:s24+$0xFFFFFF80];
	p1 =	slt.u32 s4, $0x26;
	[tilespmem:s19+$0xFFFFFF90] =	vst v5  }
0x2bc: {  	v1 =	vld.idx.msk [tilespmem:v1+s3+$0x0], $0xffff  }
0x2bd: {  	v5 =	vld [tilespmem:s2+$0xFFFFFFA0];
	[tilespmem:s5+$0xFFFFFFB0] =	vst v4  }
0x2be: {  	v3 =	vld.idx.msk [tilespmem:v3+s3+$0x0], $0xffff  }
0x2bf: {  	v4 =	vld [tilespmem:s0+$0xFFFFFFC0];
	[tilespmem:s30+$0xFFFFFFD0] =	vst v2  }
0x2c0: {  	v2 =	vld.idx.msk [tilespmem:v6+s3+$0x0], $0xffff  }
0x2c1: {  	v6 =	vld [tilespmem:s31+$0xFFFFFFE0]  }
0x2c2: {  	v7 =	vld.idx.msk [tilespmem:v7+s3+$0x0], $0xffff;
	[tilespmem:s30+$0x60] =	vst v1  }
0x2c3: {  	v1 =	vld [tilespmem:s31+$0x70]  }
0x2c4: {  	v8 =	vld.idx.msk [tilespmem:v8+s3+$0x0], $0xffff;
	[tilespmem:s5+$0x40] =	vst v3  }
0x2c5: {  	v3 =	vld [tilespmem:s0+$0x50]  }
0x2c6: {  	v5 =	vld.idx.msk [tilespmem:v5+s3+$0x0], $0xffff;
	[tilespmem:s19+$0x20] =	vst v2  }
0x2c7: {  	s19 =	sadd.s32 $0x100, s19;
	v2 =	vld [tilespmem:s2+$0x30]  }
0x2c8: {  	[tilespmem:s19+$0x0] =	vst v7;
	v4 =	vld.idx.msk [tilespmem:v4+s3+$0x0], $0xffff  }
0x2c9: {  	v7 =	vld [tilespmem:s24+$0x10]  }
0x2ca: {  	[tilespmem:s19+$0xFFFFFF80] =	vst v8;
	v6 =	vld.idx.msk [tilespmem:v6+s3+$0x0], $0xffff  }
0x2cb: {  	v1 =	vld.idx.msk [tilespmem:v1+s3+$0x0], $0xffff  }
0x2cc: {  	v8 =	vld [tilespmem:s24+$0xFFFFFF90];
	[tilespmem:s1+$0xFFFFFFA0] =	vst v5  }
0x2cd: {  	v3 =	vld.idx.msk [tilespmem:v3+s3+$0x0], $0xffff  }
0x2ce: {  	v9 =	vld [tilespmem:s2+$0xFFFFFFB0];
	[tilespmem:s5+$0xFFFFFFC0] =	vst v4  }
0x2cf: {  	v2 =	vld.idx.msk [tilespmem:v2+s3+$0x0], $0xffff  }
0x2d0: {  	v10 =	vld [tilespmem:s0+$0xFFFFFFD0];
	[tilespmem:s30+$0xFFFFFFE0] =	vst v6  }
0x2d1: {  	v4 =	vld.idx.msk [tilespmem:v7+s3+$0x0], $0xffff;
	[tilespmem:s30+$0x70] =	vst v1  }
0x2d2: {  	v6 =	vld [tilespmem:s31+$0xFFFFFFF0];
	s31 =	smov.u32 s0;
	s0 =	smov.u32 s2;
	s2 =	smov.u32 s24  }
0x2d3: {  	[tilespmem:s5+$0x50] =	vst v3;
	v7 =	vld.idx.msk [tilespmem:v0+s3+$0x0], $0xffff  }
0x2d4: {  	v1 =	vld [tilespmem:s31+$0x60]  }
.Ltmp3:
0x2d5: {  	v5 =	vld.idx.msk [tilespmem:v8+s3+$0x0], $0xffff;
	[tilespmem:s1+$0x30] =	vst v2;
	(pc) =	sbr.rel @p1 .LBB2_8-.Ltmp3, $4  }
0x2d6: {  	v3 =	vld [tilespmem:s0+$0x40]  }
0x2d7: {  	[tilespmem:s19+$0x10] =	vst v4;
	v4 =	vld.idx.msk [tilespmem:v9+s3+$0x0], $0xffff;
	v0 =	vmov v6  }
0x2d8: {  	v6 =	vld [tilespmem:s24+$0x20]  }
0x2d9: {  	s24 =	sadd.s32 $0x100, s24;
	v2 =	vld.idx.msk [tilespmem:v10+s3+$0x0], $0xffff;
	[tilespmem:s29+$0xFFFFFFF0] =	vst v7;
	s29 =	smov.u32 s30;
	s30 =	smov.u32 s5  }
0x2da: {  	[tilespmem:s19+$0xFFFFFF90] =	vst v5  }
0x2db: {  	v5 =	vld [tilespmem:s2+$0xFFFFFFA0];
	_ =	sdelay $0x6  }
0x2dc: {  	v6 =	vld.idx.msk [tilespmem:v6+s3+$0x0], $0xffff  }
0x2dd: {  	v5 =	vld.idx.msk [tilespmem:v5+s3+$0x0], $0xffff;
	_ =	sdelay $0x3  }
0x2de: {  	[tilespmem:s19+$0x20] =	vst v6  }
0x2df: {  	v6 =	vld [tilespmem:s2+$0x30];
	[tilespmem:s19+$0xFFFFFFA0] =	vst v5  }
0x2e0: {  	v5 =	vld [tilespmem:s2+$0xFFFFFFB0];
	_ =	sdelay $0x6  }
0x2e1: {  	v6 =	vld.idx.msk [tilespmem:v6+s3+$0x0], $0xffff  }
0x2e2: {  	v5 =	vld.idx.msk [tilespmem:v5+s3+$0x0], $0xffff;
	_ =	sdelay $0x2  }
0x2e3: {  	[tilespmem:s1+$0xFFFFFFB0] =	vst v4  }
0x2e4: {  	[tilespmem:s19+$0x30] =	vst v6;
	v6 =	vld [tilespmem:s0+$0xFFFFFFC0]  }
0x2e5: {  	v4 =	vld [tilespmem:s2+$0x40];
	[tilespmem:s19+$0xFFFFFFB0] =	vst v5  }
0x2e6: {  	v5 =	vld [tilespmem:s2+$0xFFFFFFC0];
	_ =	sdelay $0x4  }
0x2e7: {  	v3 =	vld.idx.msk [tilespmem:v3+s3+$0x0], $0xffff  }
0x2e8: {  	v6 =	vld.idx.msk [tilespmem:v6+s3+$0x0], $0xffff  }
0x2e9: {  	v4 =	vld.idx.msk [tilespmem:v4+s3+$0x0], $0xffff  }
0x2ea: {  	v5 =	vld.idx.msk [tilespmem:v5+s3+$0x0], $0xffff;
	_ =	sdelay $0x1  }
0x2eb: {  	[tilespmem:s1+$0x40] =	vst v3  }
0x2ec: {  	v3 =	vld [tilespmem:s0+$0x50];
	[tilespmem:s1+$0xFFFFFFC0] =	vst v6  }
0x2ed: {  	[tilespmem:s19+$0x40] =	vst v4;
	v6 =	vld [tilespmem:s0+$0xFFFFFFD0]  }
0x2ee: {  	v4 =	vld [tilespmem:s2+$0x50];
	[tilespmem:s19+$0xFFFFFFC0] =	vst v5  }
0x2ef: {  	v5 =	vld [tilespmem:s2+$0xFFFFFFD0];
	_ =	sdelay $0x4  }
0x2f0: {  	v3 =	vld.idx.msk [tilespmem:v3+s3+$0x0], $0xffff  }
0x2f1: {  	v6 =	vld.idx.msk [tilespmem:v6+s3+$0x0], $0xffff  }
0x2f2: {  	v4 =	vld.idx.msk [tilespmem:v4+s3+$0x0], $0xffff  }
0x2f3: {  	v5 =	vld.idx.msk [tilespmem:v5+s3+$0x0], $0xffff  }
0x2f4: {  	v1 =	vld.idx.msk [tilespmem:v1+s3+$0x0], $0xffff;
	[tilespmem:s30+$0xFFFFFFD0] =	vst v2  }
0x2f5: {  	[tilespmem:s1+$0x50] =	vst v3;
	v3 =	vld [tilespmem:s31+$0xFFFFFFE0]  }
0x2f6: {  	v2 =	vld [tilespmem:s0+$0x60];
	[tilespmem:s1+$0xFFFFFFD0] =	vst v6  }
0x2f7: {  	[tilespmem:s19+$0x50] =	vst v4;
	v6 =	vld [tilespmem:s0+$0xFFFFFFE0]  }
0x2f8: {  	v4 =	vld [tilespmem:s2+$0x60];
	[tilespmem:s19+$0xFFFFFFD0] =	vst v5  }
0x2f9: {  	v5 =	vld [tilespmem:s2+$0xFFFFFFE0];
	_ =	sdelay $0x1  }
0x2fa: {  	[tilespmem:s30+$0x60] =	vst v1  }
0x2fb: {  	v1 =	vld [tilespmem:s31+$0x70]  }
0x2fc: {  	v3 =	vld.idx.msk [tilespmem:v3+s3+$0x0], $0xffff  }
0x2fd: {  	v2 =	vld.idx.msk [tilespmem:v2+s3+$0x0], $0xffff  }
0x2fe: {  	v6 =	vld.idx.msk [tilespmem:v6+s3+$0x0], $0xffff  }
0x2ff: {  	v4 =	vld.idx.msk [tilespmem:v4+s3+$0x0], $0xffff  }
0x300: {  	v5 =	vld.idx.msk [tilespmem:v5+s3+$0x0], $0xffff  }
0x301: {  	[tilespmem:s30+$0xFFFFFFE0] =	vst v3  }
0x302: {  	[tilespmem:s1+$0x60] =	vst v2;
	v3 =	vld [tilespmem:s31+$0xFFFFFFF0]  }
0x303: {  	v2 =	vld [tilespmem:s0+$0x70];
	[tilespmem:s1+$0xFFFFFFE0] =	vst v6  }
0x304: {  	[tilespmem:s19+$0x60] =	vst v4;
	v6 =	vld [tilespmem:s0+$0xFFFFFFF0]  }
0x305: {  	v4 =	vld [tilespmem:s2+$0x70];
	[tilespmem:s19+$0xFFFFFFE0] =	vst v5  }
0x306: {  	v5 =	vld [tilespmem:s2+$0xFFFFFFF0]  }
0x307: {  	v1 =	vld.idx.msk [tilespmem:v1+s3+$0x0], $0xffff;
	_ =	sdelay $0x1  }
0x308: {  	v0 =	vld.idx.msk [tilespmem:v0+s3+$0x0], $0xffff  }
0x309: {  	v3 =	vld.idx.msk [tilespmem:v3+s3+$0x0], $0xffff  }
0x30a: {  	v2 =	vld.idx.msk [tilespmem:v2+s3+$0x0], $0xffff  }
0x30b: {  	[tilespmem:s30+$0x70] =	vst v1;
	v1 =	vld.idx.msk [tilespmem:v6+s3+$0x0], $0xffff  }
0x30c: {  	v4 =	vld.idx.msk [tilespmem:v4+s3+$0x0], $0xffff  }
0x30d: {  	[tilespmem:s29+$0xFFFFFFF0] =	vst v0;
	v0 =	vld.idx.msk [tilespmem:v5+s3+$0x0], $0xffff  }
0x30e: {  	[tilespmem:s30+$0xFFFFFFF0] =	vst v3  }
0x30f: {  	[tilespmem:s1+$0x70] =	vst v2  }
0x310: {  	[tilespmem:s1+$0xFFFFFFF0] =	vst v1  }
0x311: {  	[tilespmem:s19+$0x70] =	vst v4  }
0x312: {  	s24 =	simm.s32 $0x1DB70;
	[tilespmem:s19+$0xFFFFFFF0] =	vst v0  }
0x313: {  	[hbm4b:s12+s15] =	stream.strided.scatter [tilespmem:s24], [sflag:$0x4], $0x1400, s16, s15, $0x38;
	[tilespmem:$0x1EF70] =	vst v63  }
0x314: {  	_ =	swait.ge [sflag:s21], $0x1400  }
0x315: {  	[sflag:s21] =	ssyncset.done $0x0  }
0x316: {  	[sflag:s21] =	ssyncadd.s32 $0xFFFFEC00  }
0x317: {  	_ =	swait.ge [sflag:s25], $0x1400  }
0x318: {  	[sflag:s25] =	ssyncset.done $0x0  }
0x319: {  	s4 =	simm.s32 $0x19FF0;
	[sflag:s25] =	ssyncadd.s32 $0xFFFFEC00  }
0x31a: {  	v0 =	vld [tilespmem:s4+$0x0];
	_ =	sdelay $0x1  }
0x31b: {  	v1 =	vld [tilespmem:s4+$0xFFFFFF80];
	_ =	sdelay $0x5  }
0x31c: {  	v0 =	vld.idx.msk [tilespmem:v0+s3+$0x0], $0xffff;
	_ =	sdelay $0x1  }
0x31d: {  	v1 =	vld.idx.msk [tilespmem:v1+s3+$0x0], $0xffff;
	_ =	sdelay $0x1  }
0x31e: {  	s29 =	simm.s32 $0x1C7F0  }
0x31f: {  	[tilespmem:s29+$0x0] =	vst v0  }
0x320: {  	v0 =	vld [tilespmem:s4+$0x10]  }
0x321: {  	[tilespmem:s29+$0xFFFFFF80] =	vst v1  }
0x322: {  	v1 =	vld [tilespmem:s4+$0xFFFFFF90];
	_ =	sdelay $0x3  }
0x323: {  	s31 =	simm.s32 $0x1A0F0  }
0x324: {  	v2 =	vld [tilespmem:s31+$0x0]  }
0x325: {  	v0 =	vld.idx.msk [tilespmem:v0+s3+$0x0], $0xffff;
	_ =	sdelay $0x1  }
0x326: {  	v1 =	vld.idx.msk [tilespmem:v1+s3+$0x0], $0xffff;
	_ =	sdelay $0x2  }
0x327: {  	[tilespmem:s29+$0x10] =	vst v0  }
0x328: {  	v0 =	vld [tilespmem:s4+$0x20]  }
0x329: {  	[tilespmem:s29+$0xFFFFFF90] =	vst v1;
	v1 =	vld.idx.msk [tilespmem:v2+s3+$0x0], $0xffff  }
0x32a: {  	v3 =	vld [tilespmem:s31+$0xFFFFFF80];
	_ =	sdelay $0x1  }
0x32b: {  	v2 =	vld [tilespmem:s4+$0xFFFFFFA0]  }
0x32c: {  	s30 =	simm.s32 $0x1C8F0  }
0x32d: {  	[tilespmem:s30+$0x0] =	vst v1  }
0x32e: {  	v1 =	vld [tilespmem:s31+$0x10]  }
0x32f: {  	v0 =	vld.idx.msk [tilespmem:v0+s3+$0x0], $0xffff;
	_ =	sdelay $0x1  }
0x330: {  	v3 =	vld.idx.msk [tilespmem:v3+s3+$0x0], $0xffff;
	_ =	sdelay $0x1  }
0x331: {  	v2 =	vld.idx.msk [tilespmem:v2+s3+$0x0], $0xffff  }
0x332: {  	[tilespmem:s29+$0x20] =	vst v0  }
0x333: {  	v0 =	vld [tilespmem:s4+$0x30]  }
0x334: {  	[tilespmem:s30+$0xFFFFFF80] =	vst v3;
	v1 =	vld.idx.msk [tilespmem:v1+s3+$0x0], $0xffff  }
0x335: {  	v3 =	vld [tilespmem:s31+$0xFFFFFF90]  }
0x336: {  	[tilespmem:s29+$0xFFFFFFA0] =	vst v2  }
0x337: {  	v2 =	vld [tilespmem:s4+$0xFFFFFFB0];
	_ =	sdelay $0x1  }
0x338: {  	[tilespmem:s30+$0x10] =	vst v1  }
0x339: {  	v1 =	vld [tilespmem:s31+$0x20]  }
0x33a: {  	s0 =	simm.s32 $0x1A1F0;
	v0 =	vld.idx.msk [tilespmem:v0+s3+$0x0], $0xffff  }
0x33b: {  	v4 =	vld [tilespmem:s0+$0x0]  }
0x33c: {  	v3 =	vld.idx.msk [tilespmem:v3+s3+$0x0], $0xffff  }
0x33d: {  	v5 =	vld [tilespmem:s0+$0xFFFFFF80]  }
0x33e: {  	v2 =	vld.idx.msk [tilespmem:v2+s3+$0x0], $0xffff  }
0x33f: {  	[tilespmem:s29+$0x30] =	vst v0  }
0x340: {  	v0 =	vld [tilespmem:s4+$0x40]  }
0x341: {  	[tilespmem:s30+$0xFFFFFF90] =	vst v3;
	v1 =	vld.idx.msk [tilespmem:v1+s3+$0x0], $0xffff  }
0x342: {  	v3 =	vld [tilespmem:s31+$0xFFFFFFA0]  }
0x343: {  	v4 =	vld.idx.msk [tilespmem:v4+s3+$0x0], $0xffff;
	[tilespmem:s29+$0xFFFFFFB0] =	vst v2  }
0x344: {  	v2 =	vld [tilespmem:s4+$0xFFFFFFC0]  }
0x345: {  	s2 =	simm.s32 $0x1A2F0;
	v5 =	vld.idx.msk [tilespmem:v5+s3+$0x0], $0xffff  }
0x346: {  	v6 =	vld [tilespmem:s2+$0x0];
	[tilespmem:s30+$0x20] =	vst v1  }
0x347: {  	s1 =	simm.s32 $0x1C9F0;
	v1 =	vld [tilespmem:s31+$0x30]  }
0x348: {  	[tilespmem:s1+$0x0] =	vst v4;
	v0 =	vld.idx.msk [tilespmem:v0+s3+$0x0], $0xffff  }
0x349: {  	v4 =	vld [tilespmem:s0+$0x10]  }
0x34a: {  	[tilespmem:s1+$0xFFFFFF80] =	vst v5;
	v3 =	vld.idx.msk [tilespmem:v3+s3+$0x0], $0xffff  }
0x34b: {  	v5 =	vld [tilespmem:s0+$0xFFFFFF90]  }
0x34c: {  	v2 =	vld.idx.msk [tilespmem:v2+s3+$0x0], $0xffff  }
0x34d: {  	v7 =	vld [tilespmem:s2+$0xFFFFFF80];
	[tilespmem:s29+$0x40] =	vst v0  }
0x34e: {  	v0 =	vld [tilespmem:s4+$0x50]  }
0x34f: {  	[tilespmem:s30+$0xFFFFFFA0] =	vst v3;
	v1 =	vld.idx.msk [tilespmem:v1+s3+$0x0], $0xffff  }
0x350: {  	v3 =	vld [tilespmem:s31+$0xFFFFFFB0]  }
0x351: {  	v4 =	vld.idx.msk [tilespmem:v4+s3+$0x0], $0xffff;
	[tilespmem:s29+$0xFFFFFFC0] =	vst v2  }
0x352: {  	v2 =	vld [tilespmem:s4+$0xFFFFFFD0]  }
0x353: {  	v5 =	vld.idx.msk [tilespmem:v5+s3+$0x0], $0xffff  }
0x354: {  	v6 =	vld.idx.msk [tilespmem:v6+s3+$0x0], $0xffff;
	[tilespmem:s30+$0x30] =	vst v1  }
0x355: {  	v1 =	vld [tilespmem:s31+$0x40]  }
0x356: {  	[tilespmem:s1+$0x10] =	vst v4;
	v0 =	vld.idx.msk [tilespmem:v0+s3+$0x0], $0xffff  }
0x357: {  	v4 =	vld [tilespmem:s0+$0x20]  }
0x358: {  	[tilespmem:s1+$0xFFFFFF90] =	vst v5;
	v3 =	vld.idx.msk [tilespmem:v3+s3+$0x0], $0xffff  }
0x359: {  	v5 =	vld [tilespmem:s0+$0xFFFFFFA0]  }
0x35a: {  	v2 =	vld.idx.msk [tilespmem:v2+s3+$0x0], $0xffff  }
0x35b: {  	v7 =	vld.idx.msk [tilespmem:v7+s3+$0x0], $0xffff;
	[tilespmem:s29+$0x50] =	vst v0  }
0x35c: {  	v0 =	vld [tilespmem:s4+$0x60]  }
0x35d: {  	s19 =	simm.s32 $0x1CAF0;
	[tilespmem:s30+$0xFFFFFFB0] =	vst v3;
	v1 =	vld.idx.msk [tilespmem:v1+s3+$0x0], $0xffff  }
0x35e: {  	[tilespmem:s19+$0x0] =	vst v6;
	v3 =	vld [tilespmem:s31+$0xFFFFFFC0]  }
0x35f: {  	[tilespmem:s29+$0xFFFFFFD0] =	vst v2;
	v2 =	vld.idx.msk [tilespmem:v4+s3+$0x0], $0xffff  }
0x360: {  	v6 =	vld [tilespmem:s2+$0x10]  }
0x361: {  	v4 =	vld [tilespmem:s4+$0xFFFFFFE0]  }
0x362: {  	v5 =	vld.idx.msk [tilespmem:v5+s3+$0x0], $0xffff;
	[tilespmem:s30+$0x40] =	vst v1  }
0x363: {  	v1 =	vld [tilespmem:s31+$0x50]  }
0x364: {  	[tilespmem:s1+$0x20] =	vst v2;
	v0 =	vld.idx.msk [tilespmem:v0+s3+$0x0], $0xffff  }
0x365: {  	v2 =	vld [tilespmem:s0+$0x30]  }
0x366: {  	[tilespmem:s19+$0xFFFFFF80] =	vst v7;
	v3 =	vld.idx.msk [tilespmem:v3+s3+$0x0], $0xffff  }
0x367: {  	v8 =	vld [tilespmem:s2+$0xFFFFFF90];
	[tilespmem:s1+$0xFFFFFFA0] =	vst v5  }
0x368: {  	v9 =	vld [tilespmem:s0+$0xFFFFFFB0]  }
0x369: {  	v4 =	vld.idx.msk [tilespmem:v4+s3+$0x0], $0xffff;
	[tilespmem:s29+$0x60] =	vst v0  }
0x36a: {  	v0 =	vld [tilespmem:s4+$0x70]  }
0x36b: {  	[tilespmem:s30+$0xFFFFFFC0] =	vst v3;
	v1 =	vld.idx.msk [tilespmem:v1+s3+$0x0], $0xffff  }
0x36c: {  	v10 =	vld [tilespmem:s31+$0xFFFFFFD0]  }
0x36d: {  	v2 =	vld.idx.msk [tilespmem:v2+s3+$0x0], $0xffff  }
0x36e: {  	[tilespmem:s29+$0xFFFFFFE0] =	vst v4;
	v4 =	vld.idx.msk [tilespmem:v6+s3+$0x0], $0xffff;
	_ =	sdelay $0x1  }
0x36f: {  	v5 =	vld.idx.msk [tilespmem:v8+s3+$0x0], $0xffff;
	[tilespmem:s30+$0x50] =	vst v1  }
0x370: {  	v1 =	vld [tilespmem:s31+$0x60]  }
0x371: {  	[tilespmem:s1+$0x30] =	vst v2;
	v7 =	vld.idx.msk [tilespmem:v0+s3+$0x0], $0xffff  }
0x372: {  	[tilespmem:s19+$0x10] =	vst v4;
	v4 =	vld.idx.msk [tilespmem:v9+s3+$0x0], $0xffff  }
0x373: {  	v3 =	vld [tilespmem:s0+$0x40]  }
0x374: {  	v2 =	vld.idx.msk [tilespmem:v10+s3+$0x0], $0xffff  }
0x375: {  	v6 =	vld [tilespmem:s2+$0x20]  }
0x376: {  	s24 =	simm.s32 $0x1A3F0;
	v0 =	vld [tilespmem:s4+$0xFFFFFFF0];
	s4 =	simm.s32 $0x6;
	[tilespmem:s29+$0x70] =	vst v7  }
.LBB2_10:
0x377: {  	v7 =	vld [tilespmem:s24+$0x0];
	s4 =	sadd.s32 $0x2, s4;
	s5 =	smov.u32 s1;
	s1 =	smov.u32 s19  }
0x378: {  	v8 =	vld [tilespmem:s24+$0xFFFFFF80];
	p1 =	slt.u32 s4, $0x26;
	[tilespmem:s19+$0xFFFFFF90] =	vst v5  }
0x379: {  	v1 =	vld.idx.msk [tilespmem:v1+s3+$0x0], $0xffff  }
0x37a: {  	v5 =	vld [tilespmem:s2+$0xFFFFFFA0];
	[tilespmem:s5+$0xFFFFFFB0] =	vst v4  }
0x37b: {  	v3 =	vld.idx.msk [tilespmem:v3+s3+$0x0], $0xffff  }
0x37c: {  	v4 =	vld [tilespmem:s0+$0xFFFFFFC0];
	[tilespmem:s30+$0xFFFFFFD0] =	vst v2  }
0x37d: {  	v2 =	vld.idx.msk [tilespmem:v6+s3+$0x0], $0xffff  }
0x37e: {  	v6 =	vld [tilespmem:s31+$0xFFFFFFE0]  }
0x37f: {  	v7 =	vld.idx.msk [tilespmem:v7+s3+$0x0], $0xffff;
	[tilespmem:s30+$0x60] =	vst v1  }
0x380: {  	v1 =	vld [tilespmem:s31+$0x70]  }
0x381: {  	v8 =	vld.idx.msk [tilespmem:v8+s3+$0x0], $0xffff;
	[tilespmem:s5+$0x40] =	vst v3  }
0x382: {  	v3 =	vld [tilespmem:s0+$0x50]  }
0x383: {  	v5 =	vld.idx.msk [tilespmem:v5+s3+$0x0], $0xffff;
	[tilespmem:s19+$0x20] =	vst v2  }
0x384: {  	s19 =	sadd.s32 $0x100, s19;
	v2 =	vld [tilespmem:s2+$0x30]  }
0x385: {  	[tilespmem:s19+$0x0] =	vst v7;
	v4 =	vld.idx.msk [tilespmem:v4+s3+$0x0], $0xffff  }
0x386: {  	v7 =	vld [tilespmem:s24+$0x10]  }
0x387: {  	[tilespmem:s19+$0xFFFFFF80] =	vst v8;
	v6 =	vld.idx.msk [tilespmem:v6+s3+$0x0], $0xffff  }
0x388: {  	v1 =	vld.idx.msk [tilespmem:v1+s3+$0x0], $0xffff  }
0x389: {  	v8 =	vld [tilespmem:s24+$0xFFFFFF90];
	[tilespmem:s1+$0xFFFFFFA0] =	vst v5  }
0x38a: {  	v3 =	vld.idx.msk [tilespmem:v3+s3+$0x0], $0xffff  }
0x38b: {  	v9 =	vld [tilespmem:s2+$0xFFFFFFB0];
	[tilespmem:s5+$0xFFFFFFC0] =	vst v4  }
0x38c: {  	v2 =	vld.idx.msk [tilespmem:v2+s3+$0x0], $0xffff  }
0x38d: {  	v10 =	vld [tilespmem:s0+$0xFFFFFFD0];
	[tilespmem:s30+$0xFFFFFFE0] =	vst v6  }
0x38e: {  	v4 =	vld.idx.msk [tilespmem:v7+s3+$0x0], $0xffff;
	[tilespmem:s30+$0x70] =	vst v1  }
0x38f: {  	v6 =	vld [tilespmem:s31+$0xFFFFFFF0];
	s31 =	smov.u32 s0;
	s0 =	smov.u32 s2;
	s2 =	smov.u32 s24  }
0x390: {  	[tilespmem:s5+$0x50] =	vst v3;
	v7 =	vld.idx.msk [tilespmem:v0+s3+$0x0], $0xffff  }
0x391: {  	v1 =	vld [tilespmem:s31+$0x60]  }
.Ltmp4:
0x392: {  	v5 =	vld.idx.msk [tilespmem:v8+s3+$0x0], $0xffff;
	[tilespmem:s1+$0x30] =	vst v2;
	(pc) =	sbr.rel @p1 .LBB2_10-.Ltmp4, $4  }
0x393: {  	v3 =	vld [tilespmem:s0+$0x40]  }
0x394: {  	[tilespmem:s19+$0x10] =	vst v4;
	v4 =	vld.idx.msk [tilespmem:v9+s3+$0x0], $0xffff;
	v0 =	vmov v6  }
0x395: {  	v6 =	vld [tilespmem:s24+$0x20]  }
0x396: {  	s24 =	sadd.s32 $0x100, s24;
	v2 =	vld.idx.msk [tilespmem:v10+s3+$0x0], $0xffff;
	[tilespmem:s29+$0xFFFFFFF0] =	vst v7;
	s29 =	smov.u32 s30;
	s30 =	smov.u32 s5  }
0x397: {  	[tilespmem:s19+$0xFFFFFF90] =	vst v5  }
0x398: {  	v5 =	vld [tilespmem:s2+$0xFFFFFFA0];
	_ =	sdelay $0x6  }
0x399: {  	v6 =	vld.idx.msk [tilespmem:v6+s3+$0x0], $0xffff  }
0x39a: {  	v5 =	vld.idx.msk [tilespmem:v5+s3+$0x0], $0xffff;
	_ =	sdelay $0x3  }
0x39b: {  	[tilespmem:s19+$0x20] =	vst v6  }
0x39c: {  	v6 =	vld [tilespmem:s2+$0x30];
	[tilespmem:s19+$0xFFFFFFA0] =	vst v5  }
0x39d: {  	v5 =	vld [tilespmem:s2+$0xFFFFFFB0];
	_ =	sdelay $0x6  }
0x39e: {  	v6 =	vld.idx.msk [tilespmem:v6+s3+$0x0], $0xffff  }
0x39f: {  	v5 =	vld.idx.msk [tilespmem:v5+s3+$0x0], $0xffff;
	_ =	sdelay $0x2  }
0x3a0: {  	[tilespmem:s1+$0xFFFFFFB0] =	vst v4  }
0x3a1: {  	v59 =	vld [tilespmem:s0+$0xFFFFFFC0];
	[tilespmem:s19+$0x30] =	vst v6  }
0x3a2: {  	v58 =	vld [tilespmem:s2+$0x40];
	[tilespmem:s19+$0xFFFFFFB0] =	vst v5  }
0x3a3: {  	v5 =	vld [tilespmem:s2+$0xFFFFFFC0];
	_ =	sdelay $0x4  }
0x3a4: {  	v3 =	vld.idx.msk [tilespmem:v3+s3+$0x0], $0xffff  }
0x3a5: {  	v6 =	vld.idx.msk [tilespmem:v59+s3+$0x0], $0xffff  }
0x3a6: {  	v4 =	vld.idx.msk [tilespmem:v58+s3+$0x0], $0xffff  }
0x3a7: {  	v5 =	vld.idx.msk [tilespmem:v5+s3+$0x0], $0xffff;
	_ =	sdelay $0x1  }
0x3a8: {  	[tilespmem:s1+$0x40] =	vst v3  }
0x3a9: {  	v3 =	vld [tilespmem:s0+$0x50];
	[tilespmem:s1+$0xFFFFFFC0] =	vst v6  }
0x3aa: {  	v6 =	vld [tilespmem:s0+$0xFFFFFFD0];
	[tilespmem:s19+$0x40] =	vst v4  }
0x3ab: {  	v4 =	vld [tilespmem:s2+$0x50];
	[tilespmem:s19+$0xFFFFFFC0] =	vst v5  }
0x3ac: {  	v5 =	vld [tilespmem:s2+$0xFFFFFFD0];
	_ =	sdelay $0x4  }
0x3ad: {  	v3 =	vld.idx.msk [tilespmem:v3+s3+$0x0], $0xffff  }
0x3ae: {  	v6 =	vld.idx.msk [tilespmem:v6+s3+$0x0], $0xffff  }
0x3af: {  	v4 =	vld.idx.msk [tilespmem:v4+s3+$0x0], $0xffff  }
0x3b0: {  	v5 =	vld.idx.msk [tilespmem:v5+s3+$0x0], $0xffff  }
0x3b1: {  	[tilespmem:s30+$0xFFFFFFD0] =	vst v2  }
0x3b2: {  	v61 =	vld [tilespmem:s31+$0xFFFFFFE0];
	[tilespmem:s1+$0x50] =	vst v3  }
0x3b3: {  	v60 =	vld [tilespmem:s0+$0x60];
	[tilespmem:s1+$0xFFFFFFD0] =	vst v6  }
0x3b4: {  	v6 =	vld [tilespmem:s0+$0xFFFFFFE0];
	[tilespmem:s19+$0x50] =	vst v4  }
0x3b5: {  	v4 =	vld [tilespmem:s2+$0x60];
	[tilespmem:s19+$0xFFFFFFD0] =	vst v5  }
0x3b6: {  	v5 =	vld [tilespmem:s2+$0xFFFFFFE0];
	_ =	sdelay $0x2  }
0x3b7: {  	v1 =	vld.idx.msk [tilespmem:v1+s3+$0x0], $0xffff  }
0x3b8: {  	v3 =	vld.idx.msk [tilespmem:v61+s3+$0x0], $0xffff  }
0x3b9: {  	v2 =	vld.idx.msk [tilespmem:v60+s3+$0x0], $0xffff  }
0x3ba: {  	v6 =	vld.idx.msk [tilespmem:v6+s3+$0x0], $0xffff  }
0x3bb: {  	v4 =	vld.idx.msk [tilespmem:v4+s3+$0x0], $0xffff  }
0x3bc: {  	[tilespmem:s30+$0x60] =	vst v1;
	v5 =	vld.idx.msk [tilespmem:v5+s3+$0x0], $0xffff  }
0x3bd: {  	v1 =	vld [tilespmem:s31+$0x70];
	[tilespmem:s30+$0xFFFFFFE0] =	vst v3  }
0x3be: {  	v3 =	vld [tilespmem:s31+$0xFFFFFFF0];
	[tilespmem:s1+$0x60] =	vst v2  }
0x3bf: {  	v2 =	vld [tilespmem:s0+$0x70];
	[tilespmem:s1+$0xFFFFFFE0] =	vst v6  }
0x3c0: {  	v6 =	vld [tilespmem:s0+$0xFFFFFFF0];
	[tilespmem:s19+$0x60] =	vst v4  }
0x3c1: {  	v4 =	vld [tilespmem:s2+$0x70];
	[tilespmem:s19+$0xFFFFFFE0] =	vst v5  }
0x3c2: {  	v5 =	vld [tilespmem:s2+$0xFFFFFFF0];
	_ =	sdelay $0x1  }
0x3c3: {  	v0 =	vld.idx.msk [tilespmem:v0+s3+$0x0], $0xffff  }
0x3c4: {  	v1 =	vld.idx.msk [tilespmem:v1+s3+$0x0], $0xffff  }
0x3c5: {  	v3 =	vld.idx.msk [tilespmem:v3+s3+$0x0], $0xffff  }
0x3c6: {  	v2 =	vld.idx.msk [tilespmem:v2+s3+$0x0], $0xffff  }
0x3c7: {  	v62 =	vld.idx.msk [tilespmem:v6+s3+$0x0], $0xffff  }
0x3c8: {  	[tilespmem:s29+$0xFFFFFFF0] =	vst v0;
	v4 =	vld.idx.msk [tilespmem:v4+s3+$0x0], $0xffff  }
0x3c9: {  	[tilespmem:s30+$0x70] =	vst v1;
	v63 =	vld.idx.msk [tilespmem:v5+s3+$0x0], $0xffff  }
0x3ca: {  	[tilespmem:s30+$0xFFFFFFF0] =	vst v3  }
0x3cb: {  	[tilespmem:s1+$0x70] =	vst v2  }
0x3cc: {  	[tilespmem:s1+$0xFFFFFFF0] =	vst v62  }
0x3cd: {  	[tilespmem:s19+$0x70] =	vst v4  }
0x3ce: {  	s28 =	sadd.s32 $0x1, s28;
	[tilespmem:s19+$0xFFFFFFF0] =	vst v63  }
0x3cf: {  	[hbm4b:s13+s15] =	stream.strided.scatter [tilespmem:s22], [sflag:$0x3], $0x1400, s16, s15, $0x38;
	[tilespmem:$0x1EF70] =	vst v63  }
0x3d0: {  	p1 =	sne.s32 s28, s14;
	_ =	swait.ge [sflag:s26], $0x1400  }
.Ltmp5:
0x3d1: {  	[sflag:s26] =	ssyncset.done $0x0;
	(pc) =	sbr.rel @p1 .LBB2_1-.Ltmp5, $4  }
0x3d2: {  	[sflag:s26] =	ssyncadd.s32 $0xFFFFEC00  }
0x3d3: {  	_ =	swait.ge [sflag:s25], $0x1400  }
0x3d4: {  	[sflag:s25] =	ssyncset.done $0x0  }
0x3d5: {  	[sflag:s25] =	ssyncadd.s32 $0xFFFFEC00  }
0x3d6: {  	_ =	sfence.sel $0x180000  }
0x3d7: {  	[bflag:$0x0] =	sbarrier.arrive $0xFFFF  }
0x3d8: {  	_ =	strace $0x90000047  }
0x3d9: {  	[bflag:$0x2] =	sbarrier.arrive $0xFFFF  }
0x3da: {  	s0 =	rddreg [dreg:$0x4]  }
0x3db: {  	s0 =	sadd.s32 @!p0 $0x100000, s0  }
0x3dc: {  	[sflag:s0] =	ssyncadd.tile.s32 @!p0 $0x1;
	_ =	shalt  }
.Lfunc_end2:
_tile_overlayer_lowered:
.L_overlay_start_2:
0x3dd: {  	(tag) =	ssettag $0x2  }
0x3de: {  	s0 =	rddreg [dreg:$0x0];
	s2 =	stileid.u32  }
0x3df: {  	s1 =	rddreg [dreg:$0x1];
	p0 =	sne.s32 s2, $0x0  }
0x3e0: {  	s3 =	rddreg [dreg:$0x2];
	[bflag:$0x3] =	sbarrier.arrive $0xFFFF;
	s2 =	simm.s32 @!p0 $0x1C05  }
0x3e1: {  	[timem:s3], [sflag:s2] =	dma.local @!p0 [hbm:s0], s1  }
0x3e2: {  	s0 =	simm.s32 @!p0 $0x5  }
0x3e3: {  	_ =	swait.ge @!p0 [sflag:s0], s1  }
0x3e4: {  	s1 =	ssub.s32 @!p0 $0x0, s1;
	[sflag:s0] =	ssyncset.done @!p0 $0x0  }
0x3e5: {  	[sflag:s0] =	ssyncadd.s32 @!p0 s1  }
0x3e6: {  	[bflag:$0x3] =	sbarrier.arrive $0xFFFF  }
0x3e7: {  	_ =	shalt  }

</sc_bundles>
